<compile_context>
chip_gen: v7x
topology: tpu7x:2x2x1
jax: 0.10.2.dev20260603
libtpu: 0.0.44.dev20260713+nightly
codegen_flags: <defaults>
</compile_context>

<pallas_src>
import functools

import jax
import jax.numpy as jnp
from jax import lax
from jax.experimental import pallas as pl
from jax.experimental.pallas import tpu as pltpu
from jax.experimental.pallas import tpu_sc as plsc

C = 3
T = 300
S = 32
H, W = 256, 256
NC, NS_SUB = 2, 16
NW = NC * NS_SUB
FRAMES = C * S
FPW = FRAMES // NW
CHF = 2
RCH = H // CHF
CPW = FPW * CHF
NBUF = 3
RD = 2


def _sc_subsample(x):
    mesh = plsc.VectorSubcoreMesh(core_axis_name="c", subcore_axis_name="s")

    @functools.partial(
        pl.kernel,
        mesh=mesh,
        out_type=jax.ShapeDtypeStruct((C, S, H, W), jnp.float32),
        scratch_types=(
            [pltpu.VMEM((RCH, W), jnp.float32) for _ in range(NBUF)]
            + [pltpu.SemaphoreType.DMA((NBUF,)),
               pltpu.SemaphoreType.DMA((NBUF,))]
        ),
    )
    def k(x_hbm, out_hbm, *rest):
        bufs, (rsem, wsem) = rest[:NBUF], rest[NBUF:]
        wid = lax.axis_index("s") * NC + lax.axis_index("c")
        f0 = wid * FPW

        def coords(kk):
            f = f0 + (kk // CHF)
            c = f // S
            i = f - c * S
            src = (i * (T - 1)) // (S - 1)
            return c, i, src, (kk % CHF) * RCH

        def read(kk):
            c, _, src, r0 = coords(kk)
            return pltpu.async_copy(
                x_hbm.at[c, src, pl.ds(r0, RCH), :],
                bufs[kk % NBUF], rsem.at[kk % NBUF])

        def write(kk):
            c, i, _, r0 = coords(kk)
            return pltpu.async_copy(
                bufs[kk % NBUF],
                out_hbm.at[c, i, pl.ds(r0, RCH), :], wsem.at[kk % NBUF])

        reads = [None] * CPW
        writes = [None] * CPW
        wwaited = [False] * CPW
        for kk in range(min(RD, CPW)):
            reads[kk] = read(kk)
        for kk in range(CPW):
            reads[kk].wait()
            writes[kk] = write(kk)
            nxt = kk + RD
            if nxt < CPW:
                prev = nxt - NBUF
                if prev >= 0:
                    writes[prev].wait()
                    wwaited[prev] = True
                reads[nxt] = read(nxt)
        for kk in range(CPW):
            if not wwaited[kk]:
                writes[kk].wait()

    return k(x)


def kernel(x):
    return _sc_subsample(x)

# --- scband reference (transcript-rebuilt; emitter-appended) ---
"""Pipeline reference for scband-uniform-temporal-subsample-5987184411035 (READ-ONLY COPY).

The authoritative reference and input builder live on the scoring server;
editing this copy changes nothing except your own understanding.
"""

import jax, jax.numpy as jnp
import numpy as np

NUM_SAMPLES = 32
TEMPORAL_DIM = -3


def setup_inputs(seed: int = 0) -> dict:
    key = jax.random.key(seed)
    x = jax.random.normal(key, (3, 300, 256, 256), dtype=jnp.float32)
    return {"x": x}


def reference(x):
    # uniform_temporal_subsample: pick NUM_SAMPLES equispaced frames along TEMPORAL_DIM
    t = x.shape[TEMPORAL_DIM]
    indices = jnp.linspace(0, t - 1, NUM_SAMPLES)
    indices = jnp.clip(indices, 0, t - 1).astype(jnp.int32)
    return jnp.take(x, indices, axis=TEMPORAL_DIM)

if __name__ == "__main__":
    import jax
    _d = setup_inputs()
    print(jax.jit(kernel)(*tuple(_d.values())))

</pallas_src>

<mosaic_0001>
#map = affine_map<(d0, d1) -> (0, 0, 0, 0)>
module attributes {stable_mosaic.version = 14 : i64} {
  func.func @k(%arg0: i32, %arg1: i32, %arg2: memref<3x300x256x256xf32, #tpu.memory_space<hbm>>, %arg3: memref<3x32x256x256xf32, #tpu.memory_space<hbm>>, %arg4: memref<128x256xf32, #tpu.memory_space<vmem>>, %arg5: memref<128x256xf32, #tpu.memory_space<vmem>>, %arg6: memref<128x256xf32, #tpu.memory_space<vmem>>, %arg7: memref<3x!tpu.dma_semaphore, #tpu.memory_space<semaphore_mem>>, %arg8: memref<3x!tpu.dma_semaphore, #tpu.memory_space<semaphore_mem>>) attributes {dimension_semantics = [#tpu.dimension_semantics<core_parallel>, #tpu.dimension_semantics<subcore_parallel>], iteration_bounds = array<i64: 2, 16>, scalar_prefetch = 0 : i64, scratch_operands = 5 : i64, tpu.core_type = #tpu.core_type<sc_vector_subcore>, window_params = [{transform_indices = #map}, {transform_indices = #map}]} {
    %mul3A = arith.constant 2 : i32
    %mul3A_0 = arith.muli %arg1, %mul3A : i32
    %add3A = arith.addi %mul3A_0, %arg0 : i32
    %mul3A_1 = arith.constant 3 : i32
    %mul3A_2 = arith.muli %add3A, %mul3A_1 : i32
    %add3A_3 = arith.constant 0 : i32
    %add3A_4 = arith.addi %mul3A_2, %add3A_3 : i32
    %jit3A = arith.constant 32 : i32
    %div3A = arith.divsi %add3A_4, %jit3A : i32
    %sign3A = arith.constant 0 : i32
    %sign3A_5 = arith.cmpi sgt, %add3A_4, %sign3A : i32
    %sign3A_6 = arith.extui %sign3A_5 : i1 to i32
    %sign3A_7 = arith.constant 0 : i32
    %sign3A_8 = arith.cmpi slt, %add3A_4, %sign3A_7 : i32
    %sign3A_9 = arith.extui %sign3A_8 : i1 to i32
    %sign3A_10 = arith.subi %sign3A_6, %sign3A_9 : i32
    %sign3A_11 = arith.constant 0 : i32
    %sign3A_12 = arith.cmpi sgt, %jit3A, %sign3A_11 : i32
    %sign3A_13 = arith.extui %sign3A_12 : i1 to i32
    %sign3A_14 = arith.constant 0 : i32
    %sign3A_15 = arith.cmpi slt, %jit3A, %sign3A_14 : i32
    %sign3A_16 = arith.extui %sign3A_15 : i1 to i32
    %sign3A_17 = arith.subi %sign3A_13, %sign3A_16 : i32
    %ne3A = arith.cmpi ne, %sign3A_10, %sign3A_17 : i32
    %rem3A = arith.remsi %add3A_4, %jit3A : i32
    %ne3A_18 = arith.constant 0 : i32
    %ne3A_19 = arith.cmpi ne, %rem3A, %ne3A_18 : i32
    %and3A = arith.andi %ne3A, %ne3A_19 : i1
    %sub3A = arith.constant 1 : i32
    %sub3A_20 = arith.subi %div3A, %sub3A : i32
    %select_n3A = arith.select %and3A, %sub3A_20, %div3A : i32
    %mul3A_21 = arith.constant 32 : i32
    %mul3A_22 = arith.muli %select_n3A, %mul3A_21 : i32
    %sub3A_23 = arith.subi %add3A_4, %mul3A_22 : i32
    %mul3A_24 = arith.constant 299 : i32
    %mul3A_25 = arith.muli %sub3A_23, %mul3A_24 : i32
    %jit3A_26 = arith.constant 31 : i32
    %div3A_27 = arith.divsi %mul3A_25, %jit3A_26 : i32
    %sign3A_28 = arith.constant 0 : i32
    %sign3A_29 = arith.cmpi sgt, %mul3A_25, %sign3A_28 : i32
    %sign3A_30 = arith.extui %sign3A_29 : i1 to i32
    %sign3A_31 = arith.constant 0 : i32
    %sign3A_32 = arith.cmpi slt, %mul3A_25, %sign3A_31 : i32
    %sign3A_33 = arith.extui %sign3A_32 : i1 to i32
    %sign3A_34 = arith.subi %sign3A_30, %sign3A_33 : i32
    %sign3A_35 = arith.constant 0 : i32
    %sign3A_36 = arith.cmpi sgt, %jit3A_26, %sign3A_35 : i32
    %sign3A_37 = arith.extui %sign3A_36 : i1 to i32
    %sign3A_38 = arith.constant 0 : i32
    %sign3A_39 = arith.cmpi slt, %jit3A_26, %sign3A_38 : i32
    %sign3A_40 = arith.extui %sign3A_39 : i1 to i32
    %sign3A_41 = arith.subi %sign3A_37, %sign3A_40 : i32
    %ne3A_42 = arith.cmpi ne, %sign3A_34, %sign3A_41 : i32
    %rem3A_43 = arith.remsi %mul3A_25, %jit3A_26 : i32
    %ne3A_44 = arith.constant 0 : i32
    %ne3A_45 = arith.cmpi ne, %rem3A_43, %ne3A_44 : i32
    %and3A_46 = arith.andi %ne3A_42, %ne3A_45 : i1
    %sub3A_47 = arith.constant 1 : i32
    %sub3A_48 = arith.subi %div3A_27, %sub3A_47 : i32
    %select_n3A_49 = arith.select %and3A_46, %sub3A_48, %div3A_27 : i32
    %dma_start3A = arith.constant 0 : i32
    %dma_start3A_50 = arith.constant 0 : i32
    %dma_start3A_51 = arith.constant 0 : i32
    %dma_start3A_52 = tpu.memref_slice %arg2[%select_n3A, %select_n3A_49, %dma_start3A_50, %dma_start3A_51] : memref<3x300x256x256xf32, #tpu.memory_space<hbm>> -> memref<1x1x128x256xf32, #tpu.memory_space<hbm>>
    %dma_start3A_53 = tpu.memref_squeeze %dma_start3A_52 : memref<1x1x128x256xf32, #tpu.memory_space<hbm>> -> memref<128x256xf32, #tpu.memory_space<hbm>>
    %dma_start3A_54 = tpu.memref_slice %arg7[%dma_start3A] : memref<3x!tpu.dma_semaphore, #tpu.memory_space<semaphore_mem>> -> memref<1x!tpu.dma_semaphore, #tpu.memory_space<semaphore_mem>>
    %dma_start3A_55 = tpu.memref_squeeze %dma_start3A_54 : memref<1x!tpu.dma_semaphore, #tpu.memory_space<semaphore_mem>> -> memref<!tpu.dma_semaphore, #tpu.memory_space<semaphore_mem>>
    %dma_start3A_56 = arith.constant 0 : i32
    %dma_start3A_57 = arith.constant 0 : i32
    %dma_start3A_58 = tpu.memref_slice %arg2[%select_n3A, %select_n3A_49, %dma_start3A_56, %dma_start3A_57] : memref<3x300x256x256xf32, #tpu.memory_space<hbm>> -> memref<1x1x128x256xf32, #tpu.memory_space<hbm>>
    %dma_start3A_59 = tpu.memref_squeeze %dma_start3A_58 : memref<1x1x128x256xf32, #tpu.memory_space<hbm>> -> memref<128x256xf32, #tpu.memory_space<hbm>>
    tpu.enqueue_dma source(%dma_start3A_59 : memref<128x256xf32, #tpu.memory_space<hbm>>) target(%arg4 : memref<128x256xf32, #tpu.memory_space<vmem>>) target_semaphore(%dma_start3A_55 : memref<!tpu.dma_semaphore, #tpu.memory_space<semaphore_mem>>)
    %add3A_60 = arith.constant 0 : i32
    %add3A_61 = arith.addi %mul3A_2, %add3A_60 : i32
    %jit3A_62 = arith.constant 32 : i32
    %div3A_63 = arith.divsi %add3A_61, %jit3A_62 : i32
    %sign3A_64 = arith.constant 0 : i32
    %sign3A_65 = arith.cmpi sgt, %add3A_61, %sign3A_64 : i32
    %sign3A_66 = arith.extui %sign3A_65 : i1 to i32
    %sign3A_67 = arith.constant 0 : i32
    %sign3A_68 = arith.cmpi slt, %add3A_61, %sign3A_67 : i32
    %sign3A_69 = arith.extui %sign3A_68 : i1 to i32
    %sign3A_70 = arith.subi %sign3A_66, %sign3A_69 : i32
    %sign3A_71 = arith.constant 0 : i32
    %sign3A_72 = arith.cmpi sgt, %jit3A_62, %sign3A_71 : i32
    %sign3A_73 = arith.extui %sign3A_72 : i1 to i32
    %sign3A_74 = arith.constant 0 : i32
    %sign3A_75 = arith.cmpi slt, %jit3A_62, %sign3A_74 : i32
    %sign3A_76 = arith.extui %sign3A_75 : i1 to i32
    %sign3A_77 = arith.subi %sign3A_73, %sign3A_76 : i32
    %ne3A_78 = arith.cmpi ne, %sign3A_70, %sign3A_77 : i32
    %rem3A_79 = arith.remsi %add3A_61, %jit3A_62 : i32
    %ne3A_80 = arith.constant 0 : i32
    %ne3A_81 = arith.cmpi ne, %rem3A_79, %ne3A_80 : i32
    %and3A_82 = arith.andi %ne3A_78, %ne3A_81 : i1
    %sub3A_83 = arith.constant 1 : i32
    %sub3A_84 = arith.subi %div3A_63, %sub3A_83 : i32
    %select_n3A_85 = arith.select %and3A_82, %sub3A_84, %div3A_63 : i32
    %mul3A_86 = arith.constant 32 : i32
    %mul3A_87 = arith.muli %select_n3A_85, %mul3A_86 : i32
    %sub3A_88 = arith.subi %add3A_61, %mul3A_87 : i32
    %mul3A_89 = arith.constant 299 : i32
    %mul3A_90 = arith.muli %sub3A_88, %mul3A_89 : i32
    %jit3A_91 = arith.constant 31 : i32
    %div3A_92 = arith.divsi %mul3A_90, %jit3A_91 : i32
    %sign3A_93 = arith.constant 0 : i32
    %sign3A_94 = arith.cmpi sgt, %mul3A_90, %sign3A_93 : i32
    %sign3A_95 = arith.extui %sign3A_94 : i1 to i32
    %sign3A_96 = arith.constant 0 : i32
    %sign3A_97 = arith.cmpi slt, %mul3A_90, %sign3A_96 : i32
    %sign3A_98 = arith.extui %sign3A_97 : i1 to i32
    %sign3A_99 = arith.subi %sign3A_95, %sign3A_98 : i32
    %sign3A_100 = arith.constant 0 : i32
    %sign3A_101 = arith.cmpi sgt, %jit3A_91, %sign3A_100 : i32
    %sign3A_102 = arith.extui %sign3A_101 : i1 to i32
    %sign3A_103 = arith.constant 0 : i32
    %sign3A_104 = arith.cmpi slt, %jit3A_91, %sign3A_103 : i32
    %sign3A_105 = arith.extui %sign3A_104 : i1 to i32
    %sign3A_106 = arith.subi %sign3A_102, %sign3A_105 : i32
    %ne3A_107 = arith.cmpi ne, %sign3A_99, %sign3A_106 : i32
    %rem3A_108 = arith.remsi %mul3A_90, %jit3A_91 : i32
    %ne3A_109 = arith.constant 0 : i32
    %ne3A_110 = arith.cmpi ne, %rem3A_108, %ne3A_109 : i32
    %and3A_111 = arith.andi %ne3A_107, %ne3A_110 : i1
    %sub3A_112 = arith.constant 1 : i32
    %sub3A_113 = arith.subi %div3A_92, %sub3A_112 : i32
    %select_n3A_114 = arith.select %and3A_111, %sub3A_113, %div3A_92 : i32
    %dma_start3A_115 = arith.constant 1 : i32
    %dma_start3A_116 = arith.constant 128 : i32
    %dma_start3A_117 = arith.constant 0 : i32
    %dma_start3A_118 = tpu.memref_slice %arg2[%select_n3A_85, %select_n3A_114, %dma_start3A_116, %dma_start3A_117] : memref<3x300x256x256xf32, #tpu.memory_space<hbm>> -> memref<1x1x128x256xf32, #tpu.memory_space<hbm>>
    %dma_start3A_119 = tpu.memref_squeeze %dma_start3A_118 : memref<1x1x128x256xf32, #tpu.memory_space<hbm>> -> memref<128x256xf32, #tpu.memory_space<hbm>>
    %dma_start3A_120 = tpu.memref_slice %arg7[%dma_start3A_115] : memref<3x!tpu.dma_semaphore, #tpu.memory_space<semaphore_mem>> -> memref<1x!tpu.dma_semaphore, #tpu.memory_space<semaphore_mem>>
    %dma_start3A_121 = tpu.memref_squeeze %dma_start3A_120 : memref<1x!tpu.dma_semaphore, #tpu.memory_space<semaphore_mem>> -> memref<!tpu.dma_semaphore, #tpu.memory_space<semaphore_mem>>
    %dma_start3A_122 = arith.constant 128 : i32
    %dma_start3A_123 = arith.constant 0 : i32
    %dma_start3A_124 = tpu.memref_slice %arg2[%select_n3A_85, %select_n3A_114, %dma_start3A_122, %dma_start3A_123] : memref<3x300x256x256xf32, #tpu.memory_space<hbm>> -> memref<1x1x128x256xf32, #tpu.memory_space<hbm>>
    %dma_start3A_125 = tpu.memref_squeeze %dma_start3A_124 : memref<1x1x128x256xf32, #tpu.memory_space<hbm>> -> memref<128x256xf32, #tpu.memory_space<hbm>>
    tpu.enqueue_dma source(%dma_start3A_125 : memref<128x256xf32, #tpu.memory_space<hbm>>) target(%arg5 : memref<128x256xf32, #tpu.memory_space<vmem>>) target_semaphore(%dma_start3A_121 : memref<!tpu.dma_semaphore, #tpu.memory_space<semaphore_mem>>)
    %dma_wait3A = arith.constant 0 : i32
    %dma_wait3A_126 = arith.constant 0 : i32
    %dma_wait3A_127 = arith.constant 0 : i32
    %dma_wait3A_128 = tpu.memref_slice %arg2[%select_n3A, %select_n3A_49, %dma_wait3A_126, %dma_wait3A_127] : memref<3x300x256x256xf32, #tpu.memory_space<hbm>> -> memref<1x1x128x256xf32, #tpu.memory_space<hbm>>
    %dma_wait3A_129 = tpu.memref_squeeze %dma_wait3A_128 : memref<1x1x128x256xf32, #tpu.memory_space<hbm>> -> memref<128x256xf32, #tpu.memory_space<hbm>>
    %dma_wait3A_130 = tpu.memref_slice %arg7[%dma_wait3A] : memref<3x!tpu.dma_semaphore, #tpu.memory_space<semaphore_mem>> -> memref<1x!tpu.dma_semaphore, #tpu.memory_space<semaphore_mem>>
    %dma_wait3A_131 = tpu.memref_squeeze %dma_wait3A_130 : memref<1x!tpu.dma_semaphore, #tpu.memory_space<semaphore_mem>> -> memref<!tpu.dma_semaphore, #tpu.memory_space<semaphore_mem>>
    %dma_wait3A_132 = arith.constant 0 : i32
    %dma_wait3A_133 = arith.constant 0 : i32
    %dma_wait3A_134 = tpu.memref_slice %arg2[%select_n3A, %select_n3A_49, %dma_wait3A_132, %dma_wait3A_133] : memref<3x300x256x256xf32, #tpu.memory_space<hbm>> -> memref<1x1x128x256xf32, #tpu.memory_space<hbm>>
    %dma_wait3A_135 = tpu.memref_squeeze %dma_wait3A_134 : memref<1x1x128x256xf32, #tpu.memory_space<hbm>> -> memref<128x256xf32, #tpu.memory_space<hbm>>
    tpu.wait_dma2 semaphore(%dma_wait3A_131 : memref<!tpu.dma_semaphore, #tpu.memory_space<semaphore_mem>>) src(%dma_wait3A_135 : memref<128x256xf32, #tpu.memory_space<hbm>>) dst(%arg4 : memref<128x256xf32, #tpu.memory_space<vmem>>)
    %add3A_136 = arith.constant 0 : i32
    %add3A_137 = arith.addi %mul3A_2, %add3A_136 : i32
    %jit3A_138 = arith.constant 32 : i32
    %div3A_139 = arith.divsi %add3A_137, %jit3A_138 : i32
    %sign3A_140 = arith.constant 0 : i32
    %sign3A_141 = arith.cmpi sgt, %add3A_137, %sign3A_140 : i32
    %sign3A_142 = arith.extui %sign3A_141 : i1 to i32
    %sign3A_143 = arith.constant 0 : i32
    %sign3A_144 = arith.cmpi slt, %add3A_137, %sign3A_143 : i32
    %sign3A_145 = arith.extui %sign3A_144 : i1 to i32
    %sign3A_146 = arith.subi %sign3A_142, %sign3A_145 : i32
    %sign3A_147 = arith.constant 0 : i32
    %sign3A_148 = arith.cmpi sgt, %jit3A_138, %sign3A_147 : i32
    %sign3A_149 = arith.extui %sign3A_148 : i1 to i32
    %sign3A_150 = arith.constant 0 : i32
    %sign3A_151 = arith.cmpi slt, %jit3A_138, %sign3A_150 : i32
    %sign3A_152 = arith.extui %sign3A_151 : i1 to i32
    %sign3A_153 = arith.subi %sign3A_149, %sign3A_152 : i32
    %ne3A_154 = arith.cmpi ne, %sign3A_146, %sign3A_153 : i32
    %rem3A_155 = arith.remsi %add3A_137, %jit3A_138 : i32
    %ne3A_156 = arith.constant 0 : i32
    %ne3A_157 = arith.cmpi ne, %rem3A_155, %ne3A_156 : i32
    %and3A_158 = arith.andi %ne3A_154, %ne3A_157 : i1
    %sub3A_159 = arith.constant 1 : i32
    %sub3A_160 = arith.subi %div3A_139, %sub3A_159 : i32
    %select_n3A_161 = arith.select %and3A_158, %sub3A_160, %div3A_139 : i32
    %mul3A_162 = arith.constant 32 : i32
    %mul3A_163 = arith.muli %select_n3A_161, %mul3A_162 : i32
    %sub3A_164 = arith.subi %add3A_137, %mul3A_163 : i32
    %mul3A_165 = arith.constant 299 : i32
    %mul3A_166 = arith.muli %sub3A_164, %mul3A_165 : i32
    %jit3A_167 = arith.constant 31 : i32
    %div3A_168 = arith.divsi %mul3A_166, %jit3A_167 : i32
    %sign3A_169 = arith.constant 0 : i32
    %sign3A_170 = arith.cmpi sgt, %mul3A_166, %sign3A_169 : i32
    %sign3A_171 = arith.extui %sign3A_170 : i1 to i32
    %sign3A_172 = arith.constant 0 : i32
    %sign3A_173 = arith.cmpi slt, %mul3A_166, %sign3A_172 : i32
    %sign3A_174 = arith.extui %sign3A_173 : i1 to i32
    %sign3A_175 = arith.subi %sign3A_171, %sign3A_174 : i32
    %sign3A_176 = arith.constant 0 : i32
    %sign3A_177 = arith.cmpi sgt, %jit3A_167, %sign3A_176 : i32
    %sign3A_178 = arith.extui %sign3A_177 : i1 to i32
    %sign3A_179 = arith.constant 0 : i32
    %sign3A_180 = arith.cmpi slt, %jit3A_167, %sign3A_179 : i32
    %sign3A_181 = arith.extui %sign3A_180 : i1 to i32
    %sign3A_182 = arith.subi %sign3A_178, %sign3A_181 : i32
    %ne3A_183 = arith.cmpi ne, %sign3A_175, %sign3A_182 : i32
    %rem3A_184 = arith.remsi %mul3A_166, %jit3A_167 : i32
    %ne3A_185 = arith.constant 0 : i32
    %ne3A_186 = arith.cmpi ne, %rem3A_184, %ne3A_185 : i32
    %and3A_187 = arith.andi %ne3A_183, %ne3A_186 : i1
    %sub3A_188 = arith.constant 1 : i32
    %sub3A_189 = arith.subi %div3A_168, %sub3A_188 : i32
    %select_n3A_190 = arith.select %and3A_187, %sub3A_189, %div3A_168 : i32
    %dma_start3A_191 = arith.constant 0 : i32
    %dma_start3A_192 = arith.constant 0 : i32
    %dma_start3A_193 = arith.constant 0 : i32
    %dma_start3A_194 = tpu.memref_slice %arg3[%select_n3A_161, %sub3A_164, %dma_start3A_192, %dma_start3A_193] : memref<3x32x256x256xf32, #tpu.memory_space<hbm>> -> memref<1x1x128x256xf32, #tpu.memory_space<hbm>>
    %dma_start3A_195 = tpu.memref_squeeze %dma_start3A_194 : memref<1x1x128x256xf32, #tpu.memory_space<hbm>> -> memref<128x256xf32, #tpu.memory_space<hbm>>
    %dma_start3A_196 = tpu.memref_slice %arg8[%dma_start3A_191] : memref<3x!tpu.dma_semaphore, #tpu.memory_space<semaphore_mem>> -> memref<1x!tpu.dma_semaphore, #tpu.memory_space<semaphore_mem>>
    %dma_start3A_197 = tpu.memref_squeeze %dma_start3A_196 : memref<1x!tpu.dma_semaphore, #tpu.memory_space<semaphore_mem>> -> memref<!tpu.dma_semaphore, #tpu.memory_space<semaphore_mem>>
    %dma_start3A_198 = arith.constant 0 : i32
    %dma_start3A_199 = arith.constant 0 : i32
    %dma_start3A_200 = tpu.memref_slice %arg3[%select_n3A_161, %sub3A_164, %dma_start3A_198, %dma_start3A_199] : memref<3x32x256x256xf32, #tpu.memory_space<hbm>> -> memref<1x1x128x256xf32, #tpu.memory_space<hbm>>
    %dma_start3A_201 = tpu.memref_squeeze %dma_start3A_200 : memref<1x1x128x256xf32, #tpu.memory_space<hbm>> -> memref<128x256xf32, #tpu.memory_space<hbm>>
    tpu.enqueue_dma source(%arg4 : memref<128x256xf32, #tpu.memory_space<vmem>>) target(%dma_start3A_201 : memref<128x256xf32, #tpu.memory_space<hbm>>) target_semaphore(%dma_start3A_197 : memref<!tpu.dma_semaphore, #tpu.memory_space<semaphore_mem>>)
    %add3A_202 = arith.constant 1 : i32
    %add3A_203 = arith.addi %mul3A_2, %add3A_202 : i32
    %jit3A_204 = arith.constant 32 : i32
    %div3A_205 = arith.divsi %add3A_203, %jit3A_204 : i32
    %sign3A_206 = arith.constant 0 : i32
    %sign3A_207 = arith.cmpi sgt, %add3A_203, %sign3A_206 : i32
    %sign3A_208 = arith.extui %sign3A_207 : i1 to i32
    %sign3A_209 = arith.constant 0 : i32
    %sign3A_210 = arith.cmpi slt, %add3A_203, %sign3A_209 : i32
    %sign3A_211 = arith.extui %sign3A_210 : i1 to i32
    %sign3A_212 = arith.subi %sign3A_208, %sign3A_211 : i32
    %sign3A_213 = arith.constant 0 : i32
    %sign3A_214 = arith.cmpi sgt, %jit3A_204, %sign3A_213 : i32
    %sign3A_215 = arith.extui %sign3A_214 : i1 to i32
    %sign3A_216 = arith.constant 0 : i32
    %sign3A_217 = arith.cmpi slt, %jit3A_204, %sign3A_216 : i32
    %sign3A_218 = arith.extui %sign3A_217 : i1 to i32
    %sign3A_219 = arith.subi %sign3A_215, %sign3A_218 : i32
    %ne3A_220 = arith.cmpi ne, %sign3A_212, %sign3A_219 : i32
    %rem3A_221 = arith.remsi %add3A_203, %jit3A_204 : i32
    %ne3A_222 = arith.constant 0 : i32
    %ne3A_223 = arith.cmpi ne, %rem3A_221, %ne3A_222 : i32
    %and3A_224 = arith.andi %ne3A_220, %ne3A_223 : i1
    %sub3A_225 = arith.constant 1 : i32
    %sub3A_226 = arith.subi %div3A_205, %sub3A_225 : i32
    %select_n3A_227 = arith.select %and3A_224, %sub3A_226, %div3A_205 : i32
    %mul3A_228 = arith.constant 32 : i32
    %mul3A_229 = arith.muli %select_n3A_227, %mul3A_228 : i32
    %sub3A_230 = arith.subi %add3A_203, %mul3A_229 : i32
    %mul3A_231 = arith.constant 299 : i32
    %mul3A_232 = arith.muli %sub3A_230, %mul3A_231 : i32
    %jit3A_233 = arith.constant 31 : i32
    %div3A_234 = arith.divsi %mul3A_232, %jit3A_233 : i32
    %sign3A_235 = arith.constant 0 : i32
    %sign3A_236 = arith.cmpi sgt, %mul3A_232, %sign3A_235 : i32
    %sign3A_237 = arith.extui %sign3A_236 : i1 to i32
    %sign3A_238 = arith.constant 0 : i32
    %sign3A_239 = arith.cmpi slt, %mul3A_232, %sign3A_238 : i32
    %sign3A_240 = arith.extui %sign3A_239 : i1 to i32
    %sign3A_241 = arith.subi %sign3A_237, %sign3A_240 : i32
    %sign3A_242 = arith.constant 0 : i32
    %sign3A_243 = arith.cmpi sgt, %jit3A_233, %sign3A_242 : i32
    %sign3A_244 = arith.extui %sign3A_243 : i1 to i32
    %sign3A_245 = arith.constant 0 : i32
    %sign3A_246 = arith.cmpi slt, %jit3A_233, %sign3A_245 : i32
    %sign3A_247 = arith.extui %sign3A_246 : i1 to i32
    %sign3A_248 = arith.subi %sign3A_244, %sign3A_247 : i32
    %ne3A_249 = arith.cmpi ne, %sign3A_241, %sign3A_248 : i32
    %rem3A_250 = arith.remsi %mul3A_232, %jit3A_233 : i32
    %ne3A_251 = arith.constant 0 : i32
    %ne3A_252 = arith.cmpi ne, %rem3A_250, %ne3A_251 : i32
    %and3A_253 = arith.andi %ne3A_249, %ne3A_252 : i1
    %sub3A_254 = arith.constant 1 : i32
    %sub3A_255 = arith.subi %div3A_234, %sub3A_254 : i32
    %select_n3A_256 = arith.select %and3A_253, %sub3A_255, %div3A_234 : i32
    %dma_start3A_257 = arith.constant 2 : i32
    %dma_start3A_258 = arith.constant 0 : i32
    %dma_start3A_259 = arith.constant 0 : i32
    %dma_start3A_260 = tpu.memref_slice %arg2[%select_n3A_227, %select_n3A_256, %dma_start3A_258, %dma_start3A_259] : memref<3x300x256x256xf32, #tpu.memory_space<hbm>> -> memref<1x1x128x256xf32, #tpu.memory_space<hbm>>
    %dma_start3A_261 = tpu.memref_squeeze %dma_start3A_260 : memref<1x1x128x256xf32, #tpu.memory_space<hbm>> -> memref<128x256xf32, #tpu.memory_space<hbm>>
    %dma_start3A_262 = tpu.memref_slice %arg7[%dma_start3A_257] : memref<3x!tpu.dma_semaphore, #tpu.memory_space<semaphore_mem>> -> memref<1x!tpu.dma_semaphore, #tpu.memory_space<semaphore_mem>>
    %dma_start3A_263 = tpu.memref_squeeze %dma_start3A_262 : memref<1x!tpu.dma_semaphore, #tpu.memory_space<semaphore_mem>> -> memref<!tpu.dma_semaphore, #tpu.memory_space<semaphore_mem>>
    %dma_start3A_264 = arith.constant 0 : i32
    %dma_start3A_265 = arith.constant 0 : i32
    %dma_start3A_266 = tpu.memref_slice %arg2[%select_n3A_227, %select_n3A_256, %dma_start3A_264, %dma_start3A_265] : memref<3x300x256x256xf32, #tpu.memory_space<hbm>> -> memref<1x1x128x256xf32, #tpu.memory_space<hbm>>
    %dma_start3A_267 = tpu.memref_squeeze %dma_start3A_266 : memref<1x1x128x256xf32, #tpu.memory_space<hbm>> -> memref<128x256xf32, #tpu.memory_space<hbm>>
    tpu.enqueue_dma source(%dma_start3A_267 : memref<128x256xf32, #tpu.memory_space<hbm>>) target(%arg6 : memref<128x256xf32, #tpu.memory_space<vmem>>) target_semaphore(%dma_start3A_263 : memref<!tpu.dma_semaphore, #tpu.memory_space<semaphore_mem>>)
    %dma_wait3A_268 = arith.constant 1 : i32
    %dma_wait3A_269 = arith.constant 128 : i32
    %dma_wait3A_270 = arith.constant 0 : i32
    %dma_wait3A_271 = tpu.memref_slice %arg2[%select_n3A_85, %select_n3A_114, %dma_wait3A_269, %dma_wait3A_270] : memref<3x300x256x256xf32, #tpu.memory_space<hbm>> -> memref<1x1x128x256xf32, #tpu.memory_space<hbm>>
    %dma_wait3A_272 = tpu.memref_squeeze %dma_wait3A_271 : memref<1x1x128x256xf32, #tpu.memory_space<hbm>> -> memref<128x256xf32, #tpu.memory_space<hbm>>
    %dma_wait3A_273 = tpu.memref_slice %arg7[%dma_wait3A_268] : memref<3x!tpu.dma_semaphore, #tpu.memory_space<semaphore_mem>> -> memref<1x!tpu.dma_semaphore, #tpu.memory_space<semaphore_mem>>
    %dma_wait3A_274 = tpu.memref_squeeze %dma_wait3A_273 : memref<1x!tpu.dma_semaphore, #tpu.memory_space<semaphore_mem>> -> memref<!tpu.dma_semaphore, #tpu.memory_space<semaphore_mem>>
    %dma_wait3A_275 = arith.constant 128 : i32
    %dma_wait3A_276 = arith.constant 0 : i32
    %dma_wait3A_277 = tpu.memref_slice %arg2[%select_n3A_85, %select_n3A_114, %dma_wait3A_275, %dma_wait3A_276] : memref<3x300x256x256xf32, #tpu.memory_space<hbm>> -> memref<1x1x128x256xf32, #tpu.memory_space<hbm>>
    %dma_wait3A_278 = tpu.memref_squeeze %dma_wait3A_277 : memref<1x1x128x256xf32, #tpu.memory_space<hbm>> -> memref<128x256xf32, #tpu.memory_space<hbm>>
    tpu.wait_dma2 semaphore(%dma_wait3A_274 : memref<!tpu.dma_semaphore, #tpu.memory_space<semaphore_mem>>) src(%dma_wait3A_278 : memref<128x256xf32, #tpu.memory_space<hbm>>) dst(%arg5 : memref<128x256xf32, #tpu.memory_space<vmem>>)
    %add3A_279 = arith.constant 0 : i32
    %add3A_280 = arith.addi %mul3A_2, %add3A_279 : i32
    %jit3A_281 = arith.constant 32 : i32
    %div3A_282 = arith.divsi %add3A_280, %jit3A_281 : i32
    %sign3A_283 = arith.constant 0 : i32
    %sign3A_284 = arith.cmpi sgt, %add3A_280, %sign3A_283 : i32
    %sign3A_285 = arith.extui %sign3A_284 : i1 to i32
    %sign3A_286 = arith.constant 0 : i32
    %sign3A_287 = arith.cmpi slt, %add3A_280, %sign3A_286 : i32
    %sign3A_288 = arith.extui %sign3A_287 : i1 to i32
    %sign3A_289 = arith.subi %sign3A_285, %sign3A_288 : i32
    %sign3A_290 = arith.constant 0 : i32
    %sign3A_291 = arith.cmpi sgt, %jit3A_281, %sign3A_290 : i32
    %sign3A_292 = arith.extui %sign3A_291 : i1 to i32
    %sign3A_293 = arith.constant 0 : i32
    %sign3A_294 = arith.cmpi slt, %jit3A_281, %sign3A_293 : i32
    %sign3A_295 = arith.extui %sign3A_294 : i1 to i32
    %sign3A_296 = arith.subi %sign3A_292, %sign3A_295 : i32
    %ne3A_297 = arith.cmpi ne, %sign3A_289, %sign3A_296 : i32
    %rem3A_298 = arith.remsi %add3A_280, %jit3A_281 : i32
    %ne3A_299 = arith.constant 0 : i32
    %ne3A_300 = arith.cmpi ne, %rem3A_298, %ne3A_299 : i32
    %and3A_301 = arith.andi %ne3A_297, %ne3A_300 : i1
    %sub3A_302 = arith.constant 1 : i32
    %sub3A_303 = arith.subi %div3A_282, %sub3A_302 : i32
    %select_n3A_304 = arith.select %and3A_301, %sub3A_303, %div3A_282 : i32
    %mul3A_305 = arith.constant 32 : i32
    %mul3A_306 = arith.muli %select_n3A_304, %mul3A_305 : i32
    %sub3A_307 = arith.subi %add3A_280, %mul3A_306 : i32
    %mul3A_308 = arith.constant 299 : i32
    %mul3A_309 = arith.muli %sub3A_307, %mul3A_308 : i32
    %jit3A_310 = arith.constant 31 : i32
    %div3A_311 = arith.divsi %mul3A_309, %jit3A_310 : i32
    %sign3A_312 = arith.constant 0 : i32
    %sign3A_313 = arith.cmpi sgt, %mul3A_309, %sign3A_312 : i32
    %sign3A_314 = arith.extui %sign3A_313 : i1 to i32
    %sign3A_315 = arith.constant 0 : i32
    %sign3A_316 = arith.cmpi slt, %mul3A_309, %sign3A_315 : i32
    %sign3A_317 = arith.extui %sign3A_316 : i1 to i32
    %sign3A_318 = arith.subi %sign3A_314, %sign3A_317 : i32
    %sign3A_319 = arith.constant 0 : i32
    %sign3A_320 = arith.cmpi sgt, %jit3A_310, %sign3A_319 : i32
    %sign3A_321 = arith.extui %sign3A_320 : i1 to i32
    %sign3A_322 = arith.constant 0 : i32
    %sign3A_323 = arith.cmpi slt, %jit3A_310, %sign3A_322 : i32
    %sign3A_324 = arith.extui %sign3A_323 : i1 to i32
    %sign3A_325 = arith.subi %sign3A_321, %sign3A_324 : i32
    %ne3A_326 = arith.cmpi ne, %sign3A_318, %sign3A_325 : i32
    %rem3A_327 = arith.remsi %mul3A_309, %jit3A_310 : i32
    %ne3A_328 = arith.constant 0 : i32
    %ne3A_329 = arith.cmpi ne, %rem3A_327, %ne3A_328 : i32
    %and3A_330 = arith.andi %ne3A_326, %ne3A_329 : i1
    %sub3A_331 = arith.constant 1 : i32
    %sub3A_332 = arith.subi %div3A_311, %sub3A_331 : i32
    %select_n3A_333 = arith.select %and3A_330, %sub3A_332, %div3A_311 : i32
    %dma_start3A_334 = arith.constant 1 : i32
    %dma_start3A_335 = arith.constant 128 : i32
    %dma_start3A_336 = arith.constant 0 : i32
    %dma_start3A_337 = tpu.memref_slice %arg3[%select_n3A_304, %sub3A_307, %dma_start3A_335, %dma_start3A_336] : memref<3x32x256x256xf32, #tpu.memory_space<hbm>> -> memref<1x1x128x256xf32, #tpu.memory_space<hbm>>
    %dma_start3A_338 = tpu.memref_squeeze %dma_start3A_337 : memref<1x1x128x256xf32, #tpu.memory_space<hbm>> -> memref<128x256xf32, #tpu.memory_space<hbm>>
    %dma_start3A_339 = tpu.memref_slice %arg8[%dma_start3A_334] : memref<3x!tpu.dma_semaphore, #tpu.memory_space<semaphore_mem>> -> memref<1x!tpu.dma_semaphore, #tpu.memory_space<semaphore_mem>>
    %dma_start3A_340 = tpu.memref_squeeze %dma_start3A_339 : memref<1x!tpu.dma_semaphore, #tpu.memory_space<semaphore_mem>> -> memref<!tpu.dma_semaphore, #tpu.memory_space<semaphore_mem>>
    %dma_start3A_341 = arith.constant 128 : i32
    %dma_start3A_342 = arith.constant 0 : i32
    %dma_start3A_343 = tpu.memref_slice %arg3[%select_n3A_304, %sub3A_307, %dma_start3A_341, %dma_start3A_342] : memref<3x32x256x256xf32, #tpu.memory_space<hbm>> -> memref<1x1x128x256xf32, #tpu.memory_space<hbm>>
    %dma_start3A_344 = tpu.memref_squeeze %dma_start3A_343 : memref<1x1x128x256xf32, #tpu.memory_space<hbm>> -> memref<128x256xf32, #tpu.memory_space<hbm>>
    tpu.enqueue_dma source(%arg5 : memref<128x256xf32, #tpu.memory_space<vmem>>) target(%dma_start3A_344 : memref<128x256xf32, #tpu.memory_space<hbm>>) target_semaphore(%dma_start3A_340 : memref<!tpu.dma_semaphore, #tpu.memory_space<semaphore_mem>>)
    %dma_wait3A_345 = arith.constant 0 : i32
    %dma_wait3A_346 = arith.constant 0 : i32
    %dma_wait3A_347 = arith.constant 0 : i32
    %dma_wait3A_348 = tpu.memref_slice %arg3[%select_n3A_161, %sub3A_164, %dma_wait3A_346, %dma_wait3A_347] : memref<3x32x256x256xf32, #tpu.memory_space<hbm>> -> memref<1x1x128x256xf32, #tpu.memory_space<hbm>>
    %dma_wait3A_349 = tpu.memref_squeeze %dma_wait3A_348 : memref<1x1x128x256xf32, #tpu.memory_space<hbm>> -> memref<128x256xf32, #tpu.memory_space<hbm>>
    %dma_wait3A_350 = tpu.memref_slice %arg8[%dma_wait3A_345] : memref<3x!tpu.dma_semaphore, #tpu.memory_space<semaphore_mem>> -> memref<1x!tpu.dma_semaphore, #tpu.memory_space<semaphore_mem>>
    %dma_wait3A_351 = tpu.memref_squeeze %dma_wait3A_350 : memref<1x!tpu.dma_semaphore, #tpu.memory_space<semaphore_mem>> -> memref<!tpu.dma_semaphore, #tpu.memory_space<semaphore_mem>>
    %dma_wait3A_352 = arith.constant 0 : i32
    %dma_wait3A_353 = arith.constant 0 : i32
    %dma_wait3A_354 = tpu.memref_slice %arg3[%select_n3A_161, %sub3A_164, %dma_wait3A_352, %dma_wait3A_353] : memref<3x32x256x256xf32, #tpu.memory_space<hbm>> -> memref<1x1x128x256xf32, #tpu.memory_space<hbm>>
    %dma_wait3A_355 = tpu.memref_squeeze %dma_wait3A_354 : memref<1x1x128x256xf32, #tpu.memory_space<hbm>> -> memref<128x256xf32, #tpu.memory_space<hbm>>
    tpu.wait_dma2 semaphore(%dma_wait3A_351 : memref<!tpu.dma_semaphore, #tpu.memory_space<semaphore_mem>>) src(%arg4 : memref<128x256xf32, #tpu.memory_space<vmem>>) dst(%dma_wait3A_355 : memref<128x256xf32, #tpu.memory_space<hbm>>)
    %add3A_356 = arith.constant 1 : i32
    %add3A_357 = arith.addi %mul3A_2, %add3A_356 : i32
    %jit3A_358 = arith.constant 32 : i32
    %div3A_359 = arith.divsi %add3A_357, %jit3A_358 : i32
    %sign3A_360 = arith.constant 0 : i32
    %sign3A_361 = arith.cmpi sgt, %add3A_357, %sign3A_360 : i32
    %sign3A_362 = arith.extui %sign3A_361 : i1 to i32
    %sign3A_363 = arith.constant 0 : i32
    %sign3A_364 = arith.cmpi slt, %add3A_357, %sign3A_363 : i32
    %sign3A_365 = arith.extui %sign3A_364 : i1 to i32
    %sign3A_366 = arith.subi %sign3A_362, %sign3A_365 : i32
    %sign3A_367 = arith.constant 0 : i32
    %sign3A_368 = arith.cmpi sgt, %jit3A_358, %sign3A_367 : i32
    %sign3A_369 = arith.extui %sign3A_368 : i1 to i32
    %sign3A_370 = arith.constant 0 : i32
    %sign3A_371 = arith.cmpi slt, %jit3A_358, %sign3A_370 : i32
    %sign3A_372 = arith.extui %sign3A_371 : i1 to i32
    %sign3A_373 = arith.subi %sign3A_369, %sign3A_372 : i32
    %ne3A_374 = arith.cmpi ne, %sign3A_366, %sign3A_373 : i32
    %rem3A_375 = arith.remsi %add3A_357, %jit3A_358 : i32
    %ne3A_376 = arith.constant 0 : i32
    %ne3A_377 = arith.cmpi ne, %rem3A_375, %ne3A_376 : i32
    %and3A_378 = arith.andi %ne3A_374, %ne3A_377 : i1
    %sub3A_379 = arith.constant 1 : i32
    %sub3A_380 = arith.subi %div3A_359, %sub3A_379 : i32
    %select_n3A_381 = arith.select %and3A_378, %sub3A_380, %div3A_359 : i32
    %mul3A_382 = arith.constant 32 : i32
    %mul3A_383 = arith.muli %select_n3A_381, %mul3A_382 : i32
    %sub3A_384 = arith.subi %add3A_357, %mul3A_383 : i32
    %mul3A_385 = arith.constant 299 : i32
    %mul3A_386 = arith.muli %sub3A_384, %mul3A_385 : i32
    %jit3A_387 = arith.constant 31 : i32
    %div3A_388 = arith.divsi %mul3A_386, %jit3A_387 : i32
    %sign3A_389 = arith.constant 0 : i32
    %sign3A_390 = arith.cmpi sgt, %mul3A_386, %sign3A_389 : i32
    %sign3A_391 = arith.extui %sign3A_390 : i1 to i32
    %sign3A_392 = arith.constant 0 : i32
    %sign3A_393 = arith.cmpi slt, %mul3A_386, %sign3A_392 : i32
    %sign3A_394 = arith.extui %sign3A_393 : i1 to i32
    %sign3A_395 = arith.subi %sign3A_391, %sign3A_394 : i32
    %sign3A_396 = arith.constant 0 : i32
    %sign3A_397 = arith.cmpi sgt, %jit3A_387, %sign3A_396 : i32
    %sign3A_398 = arith.extui %sign3A_397 : i1 to i32
    %sign3A_399 = arith.constant 0 : i32
    %sign3A_400 = arith.cmpi slt, %jit3A_387, %sign3A_399 : i32
    %sign3A_401 = arith.extui %sign3A_400 : i1 to i32
    %sign3A_402 = arith.subi %sign3A_398, %sign3A_401 : i32
    %ne3A_403 = arith.cmpi ne, %sign3A_395, %sign3A_402 : i32
    %rem3A_404 = arith.remsi %mul3A_386, %jit3A_387 : i32
    %ne3A_405 = arith.constant 0 : i32
    %ne3A_406 = arith.cmpi ne, %rem3A_404, %ne3A_405 : i32
    %and3A_407 = arith.andi %ne3A_403, %ne3A_406 : i1
    %sub3A_408 = arith.constant 1 : i32
    %sub3A_409 = arith.subi %div3A_388, %sub3A_408 : i32
    %select_n3A_410 = arith.select %and3A_407, %sub3A_409, %div3A_388 : i32
    %dma_start3A_411 = arith.constant 0 : i32
    %dma_start3A_412 = arith.constant 128 : i32
    %dma_start3A_413 = arith.constant 0 : i32
    %dma_start3A_414 = tpu.memref_slice %arg2[%select_n3A_381, %select_n3A_410, %dma_start3A_412, %dma_start3A_413] : memref<3x300x256x256xf32, #tpu.memory_space<hbm>> -> memref<1x1x128x256xf32, #tpu.memory_space<hbm>>
    %dma_start3A_415 = tpu.memref_squeeze %dma_start3A_414 : memref<1x1x128x256xf32, #tpu.memory_space<hbm>> -> memref<128x256xf32, #tpu.memory_space<hbm>>
    %dma_start3A_416 = tpu.memref_slice %arg7[%dma_start3A_411] : memref<3x!tpu.dma_semaphore, #tpu.memory_space<semaphore_mem>> -> memref<1x!tpu.dma_semaphore, #tpu.memory_space<semaphore_mem>>
    %dma_start3A_417 = tpu.memref_squeeze %dma_start3A_416 : memref<1x!tpu.dma_semaphore, #tpu.memory_space<semaphore_mem>> -> memref<!tpu.dma_semaphore, #tpu.memory_space<semaphore_mem>>
    %dma_start3A_418 = arith.constant 128 : i32
    %dma_start3A_419 = arith.constant 0 : i32
    %dma_start3A_420 = tpu.memref_slice %arg2[%select_n3A_381, %select_n3A_410, %dma_start3A_418, %dma_start3A_419] : memref<3x300x256x256xf32, #tpu.memory_space<hbm>> -> memref<1x1x128x256xf32, #tpu.memory_space<hbm>>
    %dma_start3A_421 = tpu.memref_squeeze %dma_start3A_420 : memref<1x1x128x256xf32, #tpu.memory_space<hbm>> -> memref<128x256xf32, #tpu.memory_space<hbm>>
    tpu.enqueue_dma source(%dma_start3A_421 : memref<128x256xf32, #tpu.memory_space<hbm>>) target(%arg4 : memref<128x256xf32, #tpu.memory_space<vmem>>) target_semaphore(%dma_start3A_417 : memref<!tpu.dma_semaphore, #tpu.memory_space<semaphore_mem>>)
    %dma_wait3A_422 = arith.constant 2 : i32
    %dma_wait3A_423 = arith.constant 0 : i32
    %dma_wait3A_424 = arith.constant 0 : i32
    %dma_wait3A_425 = tpu.memref_slice %arg2[%select_n3A_227, %select_n3A_256, %dma_wait3A_423, %dma_wait3A_424] : memref<3x300x256x256xf32, #tpu.memory_space<hbm>> -> memref<1x1x128x256xf32, #tpu.memory_space<hbm>>
    %dma_wait3A_426 = tpu.memref_squeeze %dma_wait3A_425 : memref<1x1x128x256xf32, #tpu.memory_space<hbm>> -> memref<128x256xf32, #tpu.memory_space<hbm>>
    %dma_wait3A_427 = tpu.memref_slice %arg7[%dma_wait3A_422] : memref<3x!tpu.dma_semaphore, #tpu.memory_space<semaphore_mem>> -> memref<1x!tpu.dma_semaphore, #tpu.memory_space<semaphore_mem>>
    %dma_wait3A_428 = tpu.memref_squeeze %dma_wait3A_427 : memref<1x!tpu.dma_semaphore, #tpu.memory_space<semaphore_mem>> -> memref<!tpu.dma_semaphore, #tpu.memory_space<semaphore_mem>>
    %dma_wait3A_429 = arith.constant 0 : i32
    %dma_wait3A_430 = arith.constant 0 : i32
    %dma_wait3A_431 = tpu.memref_slice %arg2[%select_n3A_227, %select_n3A_256, %dma_wait3A_429, %dma_wait3A_430] : memref<3x300x256x256xf32, #tpu.memory_space<hbm>> -> memref<1x1x128x256xf32, #tpu.memory_space<hbm>>
    %dma_wait3A_432 = tpu.memref_squeeze %dma_wait3A_431 : memref<1x1x128x256xf32, #tpu.memory_space<hbm>> -> memref<128x256xf32, #tpu.memory_space<hbm>>
    tpu.wait_dma2 semaphore(%dma_wait3A_428 : memref<!tpu.dma_semaphore, #tpu.memory_space<semaphore_mem>>) src(%dma_wait3A_432 : memref<128x256xf32, #tpu.memory_space<hbm>>) dst(%arg6 : memref<128x256xf32, #tpu.memory_space<vmem>>)
    %add3A_433 = arith.constant 1 : i32
    %add3A_434 = arith.addi %mul3A_2, %add3A_433 : i32
    %jit3A_435 = arith.constant 32 : i32
    %div3A_436 = arith.divsi %add3A_434, %jit3A_435 : i32
    %sign3A_437 = arith.constant 0 : i32
    %sign3A_438 = arith.cmpi sgt, %add3A_434, %sign3A_437 : i32
    %sign3A_439 = arith.extui %sign3A_438 : i1 to i32
    %sign3A_440 = arith.constant 0 : i32
    %sign3A_441 = arith.cmpi slt, %add3A_434, %sign3A_440 : i32
    %sign3A_442 = arith.extui %sign3A_441 : i1 to i32
    %sign3A_443 = arith.subi %sign3A_439, %sign3A_442 : i32
    %sign3A_444 = arith.constant 0 : i32
    %sign3A_445 = arith.cmpi sgt, %jit3A_435, %sign3A_444 : i32
    %sign3A_446 = arith.extui %sign3A_445 : i1 to i32
    %sign3A_447 = arith.constant 0 : i32
    %sign3A_448 = arith.cmpi slt, %jit3A_435, %sign3A_447 : i32
    %sign3A_449 = arith.extui %sign3A_448 : i1 to i32
    %sign3A_450 = arith.subi %sign3A_446, %sign3A_449 : i32
    %ne3A_451 = arith.cmpi ne, %sign3A_443, %sign3A_450 : i32
    %rem3A_452 = arith.remsi %add3A_434, %jit3A_435 : i32
    %ne3A_453 = arith.constant 0 : i32
    %ne3A_454 = arith.cmpi ne, %rem3A_452, %ne3A_453 : i32
    %and3A_455 = arith.andi %ne3A_451, %ne3A_454 : i1
    %sub3A_456 = arith.constant 1 : i32
    %sub3A_457 = arith.subi %div3A_436, %sub3A_456 : i32
    %select_n3A_458 = arith.select %and3A_455, %sub3A_457, %div3A_436 : i32
    %mul3A_459 = arith.constant 32 : i32
    %mul3A_460 = arith.muli %select_n3A_458, %mul3A_459 : i32
    %sub3A_461 = arith.subi %add3A_434, %mul3A_460 : i32
    %mul3A_462 = arith.constant 299 : i32
    %mul3A_463 = arith.muli %sub3A_461, %mul3A_462 : i32
    %jit3A_464 = arith.constant 31 : i32
    %div3A_465 = arith.divsi %mul3A_463, %jit3A_464 : i32
    %sign3A_466 = arith.constant 0 : i32
    %sign3A_467 = arith.cmpi sgt, %mul3A_463, %sign3A_466 : i32
    %sign3A_468 = arith.extui %sign3A_467 : i1 to i32
    %sign3A_469 = arith.constant 0 : i32
    %sign3A_470 = arith.cmpi slt, %mul3A_463, %sign3A_469 : i32
    %sign3A_471 = arith.extui %sign3A_470 : i1 to i32
    %sign3A_472 = arith.subi %sign3A_468, %sign3A_471 : i32
    %sign3A_473 = arith.constant 0 : i32
    %sign3A_474 = arith.cmpi sgt, %jit3A_464, %sign3A_473 : i32
    %sign3A_475 = arith.extui %sign3A_474 : i1 to i32
    %sign3A_476 = arith.constant 0 : i32
    %sign3A_477 = arith.cmpi slt, %jit3A_464, %sign3A_476 : i32
    %sign3A_478 = arith.extui %sign3A_477 : i1 to i32
    %sign3A_479 = arith.subi %sign3A_475, %sign3A_478 : i32
    %ne3A_480 = arith.cmpi ne, %sign3A_472, %sign3A_479 : i32
    %rem3A_481 = arith.remsi %mul3A_463, %jit3A_464 : i32
    %ne3A_482 = arith.constant 0 : i32
    %ne3A_483 = arith.cmpi ne, %rem3A_481, %ne3A_482 : i32
    %and3A_484 = arith.andi %ne3A_480, %ne3A_483 : i1
    %sub3A_485 = arith.constant 1 : i32
    %sub3A_486 = arith.subi %div3A_465, %sub3A_485 : i32
    %select_n3A_487 = arith.select %and3A_484, %sub3A_486, %div3A_465 : i32
    %dma_start3A_488 = arith.constant 2 : i32
    %dma_start3A_489 = arith.constant 0 : i32
    %dma_start3A_490 = arith.constant 0 : i32
    %dma_start3A_491 = tpu.memref_slice %arg3[%select_n3A_458, %sub3A_461, %dma_start3A_489, %dma_start3A_490] : memref<3x32x256x256xf32, #tpu.memory_space<hbm>> -> memref<1x1x128x256xf32, #tpu.memory_space<hbm>>
    %dma_start3A_492 = tpu.memref_squeeze %dma_start3A_491 : memref<1x1x128x256xf32, #tpu.memory_space<hbm>> -> memref<128x256xf32, #tpu.memory_space<hbm>>
    %dma_start3A_493 = tpu.memref_slice %arg8[%dma_start3A_488] : memref<3x!tpu.dma_semaphore, #tpu.memory_space<semaphore_mem>> -> memref<1x!tpu.dma_semaphore, #tpu.memory_space<semaphore_mem>>
    %dma_start3A_494 = tpu.memref_squeeze %dma_start3A_493 : memref<1x!tpu.dma_semaphore, #tpu.memory_space<semaphore_mem>> -> memref<!tpu.dma_semaphore, #tpu.memory_space<semaphore_mem>>
    %dma_start3A_495 = arith.constant 0 : i32
    %dma_start3A_496 = arith.constant 0 : i32
    %dma_start3A_497 = tpu.memref_slice %arg3[%select_n3A_458, %sub3A_461, %dma_start3A_495, %dma_start3A_496] : memref<3x32x256x256xf32, #tpu.memory_space<hbm>> -> memref<1x1x128x256xf32, #tpu.memory_space<hbm>>
    %dma_start3A_498 = tpu.memref_squeeze %dma_start3A_497 : memref<1x1x128x256xf32, #tpu.memory_space<hbm>> -> memref<128x256xf32, #tpu.memory_space<hbm>>
    tpu.enqueue_dma source(%arg6 : memref<128x256xf32, #tpu.memory_space<vmem>>) target(%dma_start3A_498 : memref<128x256xf32, #tpu.memory_space<hbm>>) target_semaphore(%dma_start3A_494 : memref<!tpu.dma_semaphore, #tpu.memory_space<semaphore_mem>>)
    %dma_wait3A_499 = arith.constant 1 : i32
    %dma_wait3A_500 = arith.constant 128 : i32
    %dma_wait3A_501 = arith.constant 0 : i32
    %dma_wait3A_502 = tpu.memref_slice %arg3[%select_n3A_304, %sub3A_307, %dma_wait3A_500, %dma_wait3A_501] : memref<3x32x256x256xf32, #tpu.memory_space<hbm>> -> memref<1x1x128x256xf32, #tpu.memory_space<hbm>>
    %dma_wait3A_503 = tpu.memref_squeeze %dma_wait3A_502 : memref<1x1x128x256xf32, #tpu.memory_space<hbm>> -> memref<128x256xf32, #tpu.memory_space<hbm>>
    %dma_wait3A_504 = tpu.memref_slice %arg8[%dma_wait3A_499] : memref<3x!tpu.dma_semaphore, #tpu.memory_space<semaphore_mem>> -> memref<1x!tpu.dma_semaphore, #tpu.memory_space<semaphore_mem>>
    %dma_wait3A_505 = tpu.memref_squeeze %dma_wait3A_504 : memref<1x!tpu.dma_semaphore, #tpu.memory_space<semaphore_mem>> -> memref<!tpu.dma_semaphore, #tpu.memory_space<semaphore_mem>>
    %dma_wait3A_506 = arith.constant 128 : i32
    %dma_wait3A_507 = arith.constant 0 : i32
    %dma_wait3A_508 = tpu.memref_slice %arg3[%select_n3A_304, %sub3A_307, %dma_wait3A_506, %dma_wait3A_507] : memref<3x32x256x256xf32, #tpu.memory_space<hbm>> -> memref<1x1x128x256xf32, #tpu.memory_space<hbm>>
    %dma_wait3A_509 = tpu.memref_squeeze %dma_wait3A_508 : memref<1x1x128x256xf32, #tpu.memory_space<hbm>> -> memref<128x256xf32, #tpu.memory_space<hbm>>
    tpu.wait_dma2 semaphore(%dma_wait3A_505 : memref<!tpu.dma_semaphore, #tpu.memory_space<semaphore_mem>>) src(%arg5 : memref<128x256xf32, #tpu.memory_space<vmem>>) dst(%dma_wait3A_509 : memref<128x256xf32, #tpu.memory_space<hbm>>)
    %add3A_510 = arith.constant 2 : i32
    %add3A_511 = arith.addi %mul3A_2, %add3A_510 : i32
    %jit3A_512 = arith.constant 32 : i32
    %div3A_513 = arith.divsi %add3A_511, %jit3A_512 : i32
    %sign3A_514 = arith.constant 0 : i32
    %sign3A_515 = arith.cmpi sgt, %add3A_511, %sign3A_514 : i32
    %sign3A_516 = arith.extui %sign3A_515 : i1 to i32
    %sign3A_517 = arith.constant 0 : i32
    %sign3A_518 = arith.cmpi slt, %add3A_511, %sign3A_517 : i32
    %sign3A_519 = arith.extui %sign3A_518 : i1 to i32
    %sign3A_520 = arith.subi %sign3A_516, %sign3A_519 : i32
    %sign3A_521 = arith.constant 0 : i32
    %sign3A_522 = arith.cmpi sgt, %jit3A_512, %sign3A_521 : i32
    %sign3A_523 = arith.extui %sign3A_522 : i1 to i32
    %sign3A_524 = arith.constant 0 : i32
    %sign3A_525 = arith.cmpi slt, %jit3A_512, %sign3A_524 : i32
    %sign3A_526 = arith.extui %sign3A_525 : i1 to i32
    %sign3A_527 = arith.subi %sign3A_523, %sign3A_526 : i32
    %ne3A_528 = arith.cmpi ne, %sign3A_520, %sign3A_527 : i32
    %rem3A_529 = arith.remsi %add3A_511, %jit3A_512 : i32
    %ne3A_530 = arith.constant 0 : i32
    %ne3A_531 = arith.cmpi ne, %rem3A_529, %ne3A_530 : i32
    %and3A_532 = arith.andi %ne3A_528, %ne3A_531 : i1
    %sub3A_533 = arith.constant 1 : i32
    %sub3A_534 = arith.subi %div3A_513, %sub3A_533 : i32
    %select_n3A_535 = arith.select %and3A_532, %sub3A_534, %div3A_513 : i32
    %mul3A_536 = arith.constant 32 : i32
    %mul3A_537 = arith.muli %select_n3A_535, %mul3A_536 : i32
    %sub3A_538 = arith.subi %add3A_511, %mul3A_537 : i32
    %mul3A_539 = arith.constant 299 : i32
    %mul3A_540 = arith.muli %sub3A_538, %mul3A_539 : i32
    %jit3A_541 = arith.constant 31 : i32
    %div3A_542 = arith.divsi %mul3A_540, %jit3A_541 : i32
    %sign3A_543 = arith.constant 0 : i32
    %sign3A_544 = arith.cmpi sgt, %mul3A_540, %sign3A_543 : i32
    %sign3A_545 = arith.extui %sign3A_544 : i1 to i32
    %sign3A_546 = arith.constant 0 : i32
    %sign3A_547 = arith.cmpi slt, %mul3A_540, %sign3A_546 : i32
    %sign3A_548 = arith.extui %sign3A_547 : i1 to i32
    %sign3A_549 = arith.subi %sign3A_545, %sign3A_548 : i32
    %sign3A_550 = arith.constant 0 : i32
    %sign3A_551 = arith.cmpi sgt, %jit3A_541, %sign3A_550 : i32
    %sign3A_552 = arith.extui %sign3A_551 : i1 to i32
    %sign3A_553 = arith.constant 0 : i32
    %sign3A_554 = arith.cmpi slt, %jit3A_541, %sign3A_553 : i32
    %sign3A_555 = arith.extui %sign3A_554 : i1 to i32
    %sign3A_556 = arith.subi %sign3A_552, %sign3A_555 : i32
    %ne3A_557 = arith.cmpi ne, %sign3A_549, %sign3A_556 : i32
    %rem3A_558 = arith.remsi %mul3A_540, %jit3A_541 : i32
    %ne3A_559 = arith.constant 0 : i32
    %ne3A_560 = arith.cmpi ne, %rem3A_558, %ne3A_559 : i32
    %and3A_561 = arith.andi %ne3A_557, %ne3A_560 : i1
    %sub3A_562 = arith.constant 1 : i32
    %sub3A_563 = arith.subi %div3A_542, %sub3A_562 : i32
    %select_n3A_564 = arith.select %and3A_561, %sub3A_563, %div3A_542 : i32
    %dma_start3A_565 = arith.constant 1 : i32
    %dma_start3A_566 = arith.constant 0 : i32
    %dma_start3A_567 = arith.constant 0 : i32
    %dma_start3A_568 = tpu.memref_slice %arg2[%select_n3A_535, %select_n3A_564, %dma_start3A_566, %dma_start3A_567] : memref<3x300x256x256xf32, #tpu.memory_space<hbm>> -> memref<1x1x128x256xf32, #tpu.memory_space<hbm>>
    %dma_start3A_569 = tpu.memref_squeeze %dma_start3A_568 : memref<1x1x128x256xf32, #tpu.memory_space<hbm>> -> memref<128x256xf32, #tpu.memory_space<hbm>>
    %dma_start3A_570 = tpu.memref_slice %arg7[%dma_start3A_565] : memref<3x!tpu.dma_semaphore, #tpu.memory_space<semaphore_mem>> -> memref<1x!tpu.dma_semaphore, #tpu.memory_space<semaphore_mem>>
    %dma_start3A_571 = tpu.memref_squeeze %dma_start3A_570 : memref<1x!tpu.dma_semaphore, #tpu.memory_space<semaphore_mem>> -> memref<!tpu.dma_semaphore, #tpu.memory_space<semaphore_mem>>
    %dma_start3A_572 = arith.constant 0 : i32
    %dma_start3A_573 = arith.constant 0 : i32
    %dma_start3A_574 = tpu.memref_slice %arg2[%select_n3A_535, %select_n3A_564, %dma_start3A_572, %dma_start3A_573] : memref<3x300x256x256xf32, #tpu.memory_space<hbm>> -> memref<1x1x128x256xf32, #tpu.memory_space<hbm>>
    %dma_start3A_575 = tpu.memref_squeeze %dma_start3A_574 : memref<1x1x128x256xf32, #tpu.memory_space<hbm>> -> memref<128x256xf32, #tpu.memory_space<hbm>>
    tpu.enqueue_dma source(%dma_start3A_575 : memref<128x256xf32, #tpu.memory_space<hbm>>) target(%arg5 : memref<128x256xf32, #tpu.memory_space<vmem>>) target_semaphore(%dma_start3A_571 : memref<!tpu.dma_semaphore, #tpu.memory_space<semaphore_mem>>)
    %dma_wait3A_576 = arith.constant 0 : i32
    %dma_wait3A_577 = arith.constant 128 : i32
    %dma_wait3A_578 = arith.constant 0 : i32
    %dma_wait3A_579 = tpu.memref_slice %arg2[%select_n3A_381, %select_n3A_410, %dma_wait3A_577, %dma_wait3A_578] : memref<3x300x256x256xf32, #tpu.memory_space<hbm>> -> memref<1x1x128x256xf32, #tpu.memory_space<hbm>>
    %dma_wait3A_580 = tpu.memref_squeeze %dma_wait3A_579 : memref<1x1x128x256xf32, #tpu.memory_space<hbm>> -> memref<128x256xf32, #tpu.memory_space<hbm>>
    %dma_wait3A_581 = tpu.memref_slice %arg7[%dma_wait3A_576] : memref<3x!tpu.dma_semaphore, #tpu.memory_space<semaphore_mem>> -> memref<1x!tpu.dma_semaphore, #tpu.memory_space<semaphore_mem>>
    %dma_wait3A_582 = tpu.memref_squeeze %dma_wait3A_581 : memref<1x!tpu.dma_semaphore, #tpu.memory_space<semaphore_mem>> -> memref<!tpu.dma_semaphore, #tpu.memory_space<semaphore_mem>>
    %dma_wait3A_583 = arith.constant 128 : i32
    %dma_wait3A_584 = arith.constant 0 : i32
    %dma_wait3A_585 = tpu.memref_slice %arg2[%select_n3A_381, %select_n3A_410, %dma_wait3A_583, %dma_wait3A_584] : memref<3x300x256x256xf32, #tpu.memory_space<hbm>> -> memref<1x1x128x256xf32, #tpu.memory_space<hbm>>
    %dma_wait3A_586 = tpu.memref_squeeze %dma_wait3A_585 : memref<1x1x128x256xf32, #tpu.memory_space<hbm>> -> memref<128x256xf32, #tpu.memory_space<hbm>>
    tpu.wait_dma2 semaphore(%dma_wait3A_582 : memref<!tpu.dma_semaphore, #tpu.memory_space<semaphore_mem>>) src(%dma_wait3A_586 : memref<128x256xf32, #tpu.memory_space<hbm>>) dst(%arg4 : memref<128x256xf32, #tpu.memory_space<vmem>>)
    %add3A_587 = arith.constant 1 : i32
    %add3A_588 = arith.addi %mul3A_2, %add3A_587 : i32
    %jit3A_589 = arith.constant 32 : i32
    %div3A_590 = arith.divsi %add3A_588, %jit3A_589 : i32
    %sign3A_591 = arith.constant 0 : i32
    %sign3A_592 = arith.cmpi sgt, %add3A_588, %sign3A_591 : i32
    %sign3A_593 = arith.extui %sign3A_592 : i1 to i32
    %sign3A_594 = arith.constant 0 : i32
    %sign3A_595 = arith.cmpi slt, %add3A_588, %sign3A_594 : i32
    %sign3A_596 = arith.extui %sign3A_595 : i1 to i32
    %sign3A_597 = arith.subi %sign3A_593, %sign3A_596 : i32
    %sign3A_598 = arith.constant 0 : i32
    %sign3A_599 = arith.cmpi sgt, %jit3A_589, %sign3A_598 : i32
    %sign3A_600 = arith.extui %sign3A_599 : i1 to i32
    %sign3A_601 = arith.constant 0 : i32
    %sign3A_602 = arith.cmpi slt, %jit3A_589, %sign3A_601 : i32
    %sign3A_603 = arith.extui %sign3A_602 : i1 to i32
    %sign3A_604 = arith.subi %sign3A_600, %sign3A_603 : i32
    %ne3A_605 = arith.cmpi ne, %sign3A_597, %sign3A_604 : i32
    %rem3A_606 = arith.remsi %add3A_588, %jit3A_589 : i32
    %ne3A_607 = arith.constant 0 : i32
    %ne3A_608 = arith.cmpi ne, %rem3A_606, %ne3A_607 : i32
    %and3A_609 = arith.andi %ne3A_605, %ne3A_608 : i1
    %sub3A_610 = arith.constant 1 : i32
    %sub3A_611 = arith.subi %div3A_590, %sub3A_610 : i32
    %select_n3A_612 = arith.select %and3A_609, %sub3A_611, %div3A_590 : i32
    %mul3A_613 = arith.constant 32 : i32
    %mul3A_614 = arith.muli %select_n3A_612, %mul3A_613 : i32
    %sub3A_615 = arith.subi %add3A_588, %mul3A_614 : i32
    %mul3A_616 = arith.constant 299 : i32
    %mul3A_617 = arith.muli %sub3A_615, %mul3A_616 : i32
    %jit3A_618 = arith.constant 31 : i32
    %div3A_619 = arith.divsi %mul3A_617, %jit3A_618 : i32
    %sign3A_620 = arith.constant 0 : i32
    %sign3A_621 = arith.cmpi sgt, %mul3A_617, %sign3A_620 : i32
    %sign3A_622 = arith.extui %sign3A_621 : i1 to i32
    %sign3A_623 = arith.constant 0 : i32
    %sign3A_624 = arith.cmpi slt, %mul3A_617, %sign3A_623 : i32
    %sign3A_625 = arith.extui %sign3A_624 : i1 to i32
    %sign3A_626 = arith.subi %sign3A_622, %sign3A_625 : i32
    %sign3A_627 = arith.constant 0 : i32
    %sign3A_628 = arith.cmpi sgt, %jit3A_618, %sign3A_627 : i32
    %sign3A_629 = arith.extui %sign3A_628 : i1 to i32
    %sign3A_630 = arith.constant 0 : i32
    %sign3A_631 = arith.cmpi slt, %jit3A_618, %sign3A_630 : i32
    %sign3A_632 = arith.extui %sign3A_631 : i1 to i32
    %sign3A_633 = arith.subi %sign3A_629, %sign3A_632 : i32
    %ne3A_634 = arith.cmpi ne, %sign3A_626, %sign3A_633 : i32
    %rem3A_635 = arith.remsi %mul3A_617, %jit3A_618 : i32
    %ne3A_636 = arith.constant 0 : i32
    %ne3A_637 = arith.cmpi ne, %rem3A_635, %ne3A_636 : i32
    %and3A_638 = arith.andi %ne3A_634, %ne3A_637 : i1
    %sub3A_639 = arith.constant 1 : i32
    %sub3A_640 = arith.subi %div3A_619, %sub3A_639 : i32
    %select_n3A_641 = arith.select %and3A_638, %sub3A_640, %div3A_619 : i32
    %dma_start3A_642 = arith.constant 0 : i32
    %dma_start3A_643 = arith.constant 128 : i32
    %dma_start3A_644 = arith.constant 0 : i32
    %dma_start3A_645 = tpu.memref_slice %arg3[%select_n3A_612, %sub3A_615, %dma_start3A_643, %dma_start3A_644] : memref<3x32x256x256xf32, #tpu.memory_space<hbm>> -> memref<1x1x128x256xf32, #tpu.memory_space<hbm>>
    %dma_start3A_646 = tpu.memref_squeeze %dma_start3A_645 : memref<1x1x128x256xf32, #tpu.memory_space<hbm>> -> memref<128x256xf32, #tpu.memory_space<hbm>>
    %dma_start3A_647 = tpu.memref_slice %arg8[%dma_start3A_642] : memref<3x!tpu.dma_semaphore, #tpu.memory_space<semaphore_mem>> -> memref<1x!tpu.dma_semaphore, #tpu.memory_space<semaphore_mem>>
    %dma_start3A_648 = tpu.memref_squeeze %dma_start3A_647 : memref<1x!tpu.dma_semaphore, #tpu.memory_space<semaphore_mem>> -> memref<!tpu.dma_semaphore, #tpu.memory_space<semaphore_mem>>
    %dma_start3A_649 = arith.constant 128 : i32
    %dma_start3A_650 = arith.constant 0 : i32
    %dma_start3A_651 = tpu.memref_slice %arg3[%select_n3A_612, %sub3A_615, %dma_start3A_649, %dma_start3A_650] : memref<3x32x256x256xf32, #tpu.memory_space<hbm>> -> memref<1x1x128x256xf32, #tpu.memory_space<hbm>>
    %dma_start3A_652 = tpu.memref_squeeze %dma_start3A_651 : memref<1x1x128x256xf32, #tpu.memory_space<hbm>> -> memref<128x256xf32, #tpu.memory_space<hbm>>
    tpu.enqueue_dma source(%arg4 : memref<128x256xf32, #tpu.memory_space<vmem>>) target(%dma_start3A_652 : memref<128x256xf32, #tpu.memory_space<hbm>>) target_semaphore(%dma_start3A_648 : memref<!tpu.dma_semaphore, #tpu.memory_space<semaphore_mem>>)
    %dma_wait3A_653 = arith.constant 2 : i32
    %dma_wait3A_654 = arith.constant 0 : i32
    %dma_wait3A_655 = arith.constant 0 : i32
    %dma_wait3A_656 = tpu.memref_slice %arg3[%select_n3A_458, %sub3A_461, %dma_wait3A_654, %dma_wait3A_655] : memref<3x32x256x256xf32, #tpu.memory_space<hbm>> -> memref<1x1x128x256xf32, #tpu.memory_space<hbm>>
    %dma_wait3A_657 = tpu.memref_squeeze %dma_wait3A_656 : memref<1x1x128x256xf32, #tpu.memory_space<hbm>> -> memref<128x256xf32, #tpu.memory_space<hbm>>
    %dma_wait3A_658 = tpu.memref_slice %arg8[%dma_wait3A_653] : memref<3x!tpu.dma_semaphore, #tpu.memory_space<semaphore_mem>> -> memref<1x!tpu.dma_semaphore, #tpu.memory_space<semaphore_mem>>
    %dma_wait3A_659 = tpu.memref_squeeze %dma_wait3A_658 : memref<1x!tpu.dma_semaphore, #tpu.memory_space<semaphore_mem>> -> memref<!tpu.dma_semaphore, #tpu.memory_space<semaphore_mem>>
    %dma_wait3A_660 = arith.constant 0 : i32
    %dma_wait3A_661 = arith.constant 0 : i32
    %dma_wait3A_662 = tpu.memref_slice %arg3[%select_n3A_458, %sub3A_461, %dma_wait3A_660, %dma_wait3A_661] : memref<3x32x256x256xf32, #tpu.memory_space<hbm>> -> memref<1x1x128x256xf32, #tpu.memory_space<hbm>>
    %dma_wait3A_663 = tpu.memref_squeeze %dma_wait3A_662 : memref<1x1x128x256xf32, #tpu.memory_space<hbm>> -> memref<128x256xf32, #tpu.memory_space<hbm>>
    tpu.wait_dma2 semaphore(%dma_wait3A_659 : memref<!tpu.dma_semaphore, #tpu.memory_space<semaphore_mem>>) src(%arg6 : memref<128x256xf32, #tpu.memory_space<vmem>>) dst(%dma_wait3A_663 : memref<128x256xf32, #tpu.memory_space<hbm>>)
    %add3A_664 = arith.constant 2 : i32
    %add3A_665 = arith.addi %mul3A_2, %add3A_664 : i32
    %jit3A_666 = arith.constant 32 : i32
    %div3A_667 = arith.divsi %add3A_665, %jit3A_666 : i32
    %sign3A_668 = arith.constant 0 : i32
    %sign3A_669 = arith.cmpi sgt, %add3A_665, %sign3A_668 : i32
    %sign3A_670 = arith.extui %sign3A_669 : i1 to i32
    %sign3A_671 = arith.constant 0 : i32
    %sign3A_672 = arith.cmpi slt, %add3A_665, %sign3A_671 : i32
    %sign3A_673 = arith.extui %sign3A_672 : i1 to i32
    %sign3A_674 = arith.subi %sign3A_670, %sign3A_673 : i32
    %sign3A_675 = arith.constant 0 : i32
    %sign3A_676 = arith.cmpi sgt, %jit3A_666, %sign3A_675 : i32
    %sign3A_677 = arith.extui %sign3A_676 : i1 to i32
    %sign3A_678 = arith.constant 0 : i32
    %sign3A_679 = arith.cmpi slt, %jit3A_666, %sign3A_678 : i32
    %sign3A_680 = arith.extui %sign3A_679 : i1 to i32
    %sign3A_681 = arith.subi %sign3A_677, %sign3A_680 : i32
    %ne3A_682 = arith.cmpi ne, %sign3A_674, %sign3A_681 : i32
    %rem3A_683 = arith.remsi %add3A_665, %jit3A_666 : i32
    %ne3A_684 = arith.constant 0 : i32
    %ne3A_685 = arith.cmpi ne, %rem3A_683, %ne3A_684 : i32
    %and3A_686 = arith.andi %ne3A_682, %ne3A_685 : i1
    %sub3A_687 = arith.constant 1 : i32
    %sub3A_688 = arith.subi %div3A_667, %sub3A_687 : i32
    %select_n3A_689 = arith.select %and3A_686, %sub3A_688, %div3A_667 : i32
    %mul3A_690 = arith.constant 32 : i32
    %mul3A_691 = arith.muli %select_n3A_689, %mul3A_690 : i32
    %sub3A_692 = arith.subi %add3A_665, %mul3A_691 : i32
    %mul3A_693 = arith.constant 299 : i32
    %mul3A_694 = arith.muli %sub3A_692, %mul3A_693 : i32
    %jit3A_695 = arith.constant 31 : i32
    %div3A_696 = arith.divsi %mul3A_694, %jit3A_695 : i32
    %sign3A_697 = arith.constant 0 : i32
    %sign3A_698 = arith.cmpi sgt, %mul3A_694, %sign3A_697 : i32
    %sign3A_699 = arith.extui %sign3A_698 : i1 to i32
    %sign3A_700 = arith.constant 0 : i32
    %sign3A_701 = arith.cmpi slt, %mul3A_694, %sign3A_700 : i32
    %sign3A_702 = arith.extui %sign3A_701 : i1 to i32
    %sign3A_703 = arith.subi %sign3A_699, %sign3A_702 : i32
    %sign3A_704 = arith.constant 0 : i32
    %sign3A_705 = arith.cmpi sgt, %jit3A_695, %sign3A_704 : i32
    %sign3A_706 = arith.extui %sign3A_705 : i1 to i32
    %sign3A_707 = arith.constant 0 : i32
    %sign3A_708 = arith.cmpi slt, %jit3A_695, %sign3A_707 : i32
    %sign3A_709 = arith.extui %sign3A_708 : i1 to i32
    %sign3A_710 = arith.subi %sign3A_706, %sign3A_709 : i32
    %ne3A_711 = arith.cmpi ne, %sign3A_703, %sign3A_710 : i32
    %rem3A_712 = arith.remsi %mul3A_694, %jit3A_695 : i32
    %ne3A_713 = arith.constant 0 : i32
    %ne3A_714 = arith.cmpi ne, %rem3A_712, %ne3A_713 : i32
    %and3A_715 = arith.andi %ne3A_711, %ne3A_714 : i1
    %sub3A_716 = arith.constant 1 : i32
    %sub3A_717 = arith.subi %div3A_696, %sub3A_716 : i32
    %select_n3A_718 = arith.select %and3A_715, %sub3A_717, %div3A_696 : i32
    %dma_start3A_719 = arith.constant 2 : i32
    %dma_start3A_720 = arith.constant 128 : i32
    %dma_start3A_721 = arith.constant 0 : i32
    %dma_start3A_722 = tpu.memref_slice %arg2[%select_n3A_689, %select_n3A_718, %dma_start3A_720, %dma_start3A_721] : memref<3x300x256x256xf32, #tpu.memory_space<hbm>> -> memref<1x1x128x256xf32, #tpu.memory_space<hbm>>
    %dma_start3A_723 = tpu.memref_squeeze %dma_start3A_722 : memref<1x1x128x256xf32, #tpu.memory_space<hbm>> -> memref<128x256xf32, #tpu.memory_space<hbm>>
    %dma_start3A_724 = tpu.memref_slice %arg7[%dma_start3A_719] : memref<3x!tpu.dma_semaphore, #tpu.memory_space<semaphore_mem>> -> memref<1x!tpu.dma_semaphore, #tpu.memory_space<semaphore_mem>>
    %dma_start3A_725 = tpu.memref_squeeze %dma_start3A_724 : memref<1x!tpu.dma_semaphore, #tpu.memory_space<semaphore_mem>> -> memref<!tpu.dma_semaphore, #tpu.memory_space<semaphore_mem>>
    %dma_start3A_726 = arith.constant 128 : i32
    %dma_start3A_727 = arith.constant 0 : i32
    %dma_start3A_728 = tpu.memref_slice %arg2[%select_n3A_689, %select_n3A_718, %dma_start3A_726, %dma_start3A_727] : memref<3x300x256x256xf32, #tpu.memory_space<hbm>> -> memref<1x1x128x256xf32, #tpu.memory_space<hbm>>
    %dma_start3A_729 = tpu.memref_squeeze %dma_start3A_728 : memref<1x1x128x256xf32, #tpu.memory_space<hbm>> -> memref<128x256xf32, #tpu.memory_space<hbm>>
    tpu.enqueue_dma source(%dma_start3A_729 : memref<128x256xf32, #tpu.memory_space<hbm>>) target(%arg6 : memref<128x256xf32, #tpu.memory_space<vmem>>) target_semaphore(%dma_start3A_725 : memref<!tpu.dma_semaphore, #tpu.memory_space<semaphore_mem>>)
    %dma_wait3A_730 = arith.constant 1 : i32
    %dma_wait3A_731 = arith.constant 0 : i32
    %dma_wait3A_732 = arith.constant 0 : i32
    %dma_wait3A_733 = tpu.memref_slice %arg2[%select_n3A_535, %select_n3A_564, %dma_wait3A_731, %dma_wait3A_732] : memref<3x300x256x256xf32, #tpu.memory_space<hbm>> -> memref<1x1x128x256xf32, #tpu.memory_space<hbm>>
    %dma_wait3A_734 = tpu.memref_squeeze %dma_wait3A_733 : memref<1x1x128x256xf32, #tpu.memory_space<hbm>> -> memref<128x256xf32, #tpu.memory_space<hbm>>
    %dma_wait3A_735 = tpu.memref_slice %arg7[%dma_wait3A_730] : memref<3x!tpu.dma_semaphore, #tpu.memory_space<semaphore_mem>> -> memref<1x!tpu.dma_semaphore, #tpu.memory_space<semaphore_mem>>
    %dma_wait3A_736 = tpu.memref_squeeze %dma_wait3A_735 : memref<1x!tpu.dma_semaphore, #tpu.memory_space<semaphore_mem>> -> memref<!tpu.dma_semaphore, #tpu.memory_space<semaphore_mem>>
    %dma_wait3A_737 = arith.constant 0 : i32
    %dma_wait3A_738 = arith.constant 0 : i32
    %dma_wait3A_739 = tpu.memref_slice %arg2[%select_n3A_535, %select_n3A_564, %dma_wait3A_737, %dma_wait3A_738] : memref<3x300x256x256xf32, #tpu.memory_space<hbm>> -> memref<1x1x128x256xf32, #tpu.memory_space<hbm>>
    %dma_wait3A_740 = tpu.memref_squeeze %dma_wait3A_739 : memref<1x1x128x256xf32, #tpu.memory_space<hbm>> -> memref<128x256xf32, #tpu.memory_space<hbm>>
    tpu.wait_dma2 semaphore(%dma_wait3A_736 : memref<!tpu.dma_semaphore, #tpu.memory_space<semaphore_mem>>) src(%dma_wait3A_740 : memref<128x256xf32, #tpu.memory_space<hbm>>) dst(%arg5 : memref<128x256xf32, #tpu.memory_space<vmem>>)
    %add3A_741 = arith.constant 2 : i32
    %add3A_742 = arith.addi %mul3A_2, %add3A_741 : i32
    %jit3A_743 = arith.constant 32 : i32
    %div3A_744 = arith.divsi %add3A_742, %jit3A_743 : i32
    %sign3A_745 = arith.constant 0 : i32
    %sign3A_746 = arith.cmpi sgt, %add3A_742, %sign3A_745 : i32
    %sign3A_747 = arith.extui %sign3A_746 : i1 to i32
    %sign3A_748 = arith.constant 0 : i32
    %sign3A_749 = arith.cmpi slt, %add3A_742, %sign3A_748 : i32
    %sign3A_750 = arith.extui %sign3A_749 : i1 to i32
    %sign3A_751 = arith.subi %sign3A_747, %sign3A_750 : i32
    %sign3A_752 = arith.constant 0 : i32
    %sign3A_753 = arith.cmpi sgt, %jit3A_743, %sign3A_752 : i32
    %sign3A_754 = arith.extui %sign3A_753 : i1 to i32
    %sign3A_755 = arith.constant 0 : i32
    %sign3A_756 = arith.cmpi slt, %jit3A_743, %sign3A_755 : i32
    %sign3A_757 = arith.extui %sign3A_756 : i1 to i32
    %sign3A_758 = arith.subi %sign3A_754, %sign3A_757 : i32
    %ne3A_759 = arith.cmpi ne, %sign3A_751, %sign3A_758 : i32
    %rem3A_760 = arith.remsi %add3A_742, %jit3A_743 : i32
    %ne3A_761 = arith.constant 0 : i32
    %ne3A_762 = arith.cmpi ne, %rem3A_760, %ne3A_761 : i32
    %and3A_763 = arith.andi %ne3A_759, %ne3A_762 : i1
    %sub3A_764 = arith.constant 1 : i32
    %sub3A_765 = arith.subi %div3A_744, %sub3A_764 : i32
    %select_n3A_766 = arith.select %and3A_763, %sub3A_765, %div3A_744 : i32
    %mul3A_767 = arith.constant 32 : i32
    %mul3A_768 = arith.muli %select_n3A_766, %mul3A_767 : i32
    %sub3A_769 = arith.subi %add3A_742, %mul3A_768 : i32
    %mul3A_770 = arith.constant 299 : i32
    %mul3A_771 = arith.muli %sub3A_769, %mul3A_770 : i32
    %jit3A_772 = arith.constant 31 : i32
    %div3A_773 = arith.divsi %mul3A_771, %jit3A_772 : i32
    %sign3A_774 = arith.constant 0 : i32
    %sign3A_775 = arith.cmpi sgt, %mul3A_771, %sign3A_774 : i32
    %sign3A_776 = arith.extui %sign3A_775 : i1 to i32
    %sign3A_777 = arith.constant 0 : i32
    %sign3A_778 = arith.cmpi slt, %mul3A_771, %sign3A_777 : i32
    %sign3A_779 = arith.extui %sign3A_778 : i1 to i32
    %sign3A_780 = arith.subi %sign3A_776, %sign3A_779 : i32
    %sign3A_781 = arith.constant 0 : i32
    %sign3A_782 = arith.cmpi sgt, %jit3A_772, %sign3A_781 : i32
    %sign3A_783 = arith.extui %sign3A_782 : i1 to i32
    %sign3A_784 = arith.constant 0 : i32
    %sign3A_785 = arith.cmpi slt, %jit3A_772, %sign3A_784 : i32
    %sign3A_786 = arith.extui %sign3A_785 : i1 to i32
    %sign3A_787 = arith.subi %sign3A_783, %sign3A_786 : i32
    %ne3A_788 = arith.cmpi ne, %sign3A_780, %sign3A_787 : i32
    %rem3A_789 = arith.remsi %mul3A_771, %jit3A_772 : i32
    %ne3A_790 = arith.constant 0 : i32
    %ne3A_791 = arith.cmpi ne, %rem3A_789, %ne3A_790 : i32
    %and3A_792 = arith.andi %ne3A_788, %ne3A_791 : i1
    %sub3A_793 = arith.constant 1 : i32
    %sub3A_794 = arith.subi %div3A_773, %sub3A_793 : i32
    %select_n3A_795 = arith.select %and3A_792, %sub3A_794, %div3A_773 : i32
    %dma_start3A_796 = arith.constant 1 : i32
    %dma_start3A_797 = arith.constant 0 : i32
    %dma_start3A_798 = arith.constant 0 : i32
    %dma_start3A_799 = tpu.memref_slice %arg3[%select_n3A_766, %sub3A_769, %dma_start3A_797, %dma_start3A_798] : memref<3x32x256x256xf32, #tpu.memory_space<hbm>> -> memref<1x1x128x256xf32, #tpu.memory_space<hbm>>
    %dma_start3A_800 = tpu.memref_squeeze %dma_start3A_799 : memref<1x1x128x256xf32, #tpu.memory_space<hbm>> -> memref<128x256xf32, #tpu.memory_space<hbm>>
    %dma_start3A_801 = tpu.memref_slice %arg8[%dma_start3A_796] : memref<3x!tpu.dma_semaphore, #tpu.memory_space<semaphore_mem>> -> memref<1x!tpu.dma_semaphore, #tpu.memory_space<semaphore_mem>>
    %dma_start3A_802 = tpu.memref_squeeze %dma_start3A_801 : memref<1x!tpu.dma_semaphore, #tpu.memory_space<semaphore_mem>> -> memref<!tpu.dma_semaphore, #tpu.memory_space<semaphore_mem>>
    %dma_start3A_803 = arith.constant 0 : i32
    %dma_start3A_804 = arith.constant 0 : i32
    %dma_start3A_805 = tpu.memref_slice %arg3[%select_n3A_766, %sub3A_769, %dma_start3A_803, %dma_start3A_804] : memref<3x32x256x256xf32, #tpu.memory_space<hbm>> -> memref<1x1x128x256xf32, #tpu.memory_space<hbm>>
    %dma_start3A_806 = tpu.memref_squeeze %dma_start3A_805 : memref<1x1x128x256xf32, #tpu.memory_space<hbm>> -> memref<128x256xf32, #tpu.memory_space<hbm>>
    tpu.enqueue_dma source(%arg5 : memref<128x256xf32, #tpu.memory_space<vmem>>) target(%dma_start3A_806 : memref<128x256xf32, #tpu.memory_space<hbm>>) target_semaphore(%dma_start3A_802 : memref<!tpu.dma_semaphore, #tpu.memory_space<semaphore_mem>>)
    %dma_wait3A_807 = arith.constant 2 : i32
    %dma_wait3A_808 = arith.constant 128 : i32
    %dma_wait3A_809 = arith.constant 0 : i32
    %dma_wait3A_810 = tpu.memref_slice %arg2[%select_n3A_689, %select_n3A_718, %dma_wait3A_808, %dma_wait3A_809] : memref<3x300x256x256xf32, #tpu.memory_space<hbm>> -> memref<1x1x128x256xf32, #tpu.memory_space<hbm>>
    %dma_wait3A_811 = tpu.memref_squeeze %dma_wait3A_810 : memref<1x1x128x256xf32, #tpu.memory_space<hbm>> -> memref<128x256xf32, #tpu.memory_space<hbm>>
    %dma_wait3A_812 = tpu.memref_slice %arg7[%dma_wait3A_807] : memref<3x!tpu.dma_semaphore, #tpu.memory_space<semaphore_mem>> -> memref<1x!tpu.dma_semaphore, #tpu.memory_space<semaphore_mem>>
    %dma_wait3A_813 = tpu.memref_squeeze %dma_wait3A_812 : memref<1x!tpu.dma_semaphore, #tpu.memory_space<semaphore_mem>> -> memref<!tpu.dma_semaphore, #tpu.memory_space<semaphore_mem>>
    %dma_wait3A_814 = arith.constant 128 : i32
    %dma_wait3A_815 = arith.constant 0 : i32
    %dma_wait3A_816 = tpu.memref_slice %arg2[%select_n3A_689, %select_n3A_718, %dma_wait3A_814, %dma_wait3A_815] : memref<3x300x256x256xf32, #tpu.memory_space<hbm>> -> memref<1x1x128x256xf32, #tpu.memory_space<hbm>>
    %dma_wait3A_817 = tpu.memref_squeeze %dma_wait3A_816 : memref<1x1x128x256xf32, #tpu.memory_space<hbm>> -> memref<128x256xf32, #tpu.memory_space<hbm>>
    tpu.wait_dma2 semaphore(%dma_wait3A_813 : memref<!tpu.dma_semaphore, #tpu.memory_space<semaphore_mem>>) src(%dma_wait3A_817 : memref<128x256xf32, #tpu.memory_space<hbm>>) dst(%arg6 : memref<128x256xf32, #tpu.memory_space<vmem>>)
    %add3A_818 = arith.constant 2 : i32
    %add3A_819 = arith.addi %mul3A_2, %add3A_818 : i32
    %jit3A_820 = arith.constant 32 : i32
    %div3A_821 = arith.divsi %add3A_819, %jit3A_820 : i32
    %sign3A_822 = arith.constant 0 : i32
    %sign3A_823 = arith.cmpi sgt, %add3A_819, %sign3A_822 : i32
    %sign3A_824 = arith.extui %sign3A_823 : i1 to i32
    %sign3A_825 = arith.constant 0 : i32
    %sign3A_826 = arith.cmpi slt, %add3A_819, %sign3A_825 : i32
    %sign3A_827 = arith.extui %sign3A_826 : i1 to i32
    %sign3A_828 = arith.subi %sign3A_824, %sign3A_827 : i32
    %sign3A_829 = arith.constant 0 : i32
    %sign3A_830 = arith.cmpi sgt, %jit3A_820, %sign3A_829 : i32
    %sign3A_831 = arith.extui %sign3A_830 : i1 to i32
    %sign3A_832 = arith.constant 0 : i32
    %sign3A_833 = arith.cmpi slt, %jit3A_820, %sign3A_832 : i32
    %sign3A_834 = arith.extui %sign3A_833 : i1 to i32
    %sign3A_835 = arith.subi %sign3A_831, %sign3A_834 : i32
    %ne3A_836 = arith.cmpi ne, %sign3A_828, %sign3A_835 : i32
    %rem3A_837 = arith.remsi %add3A_819, %jit3A_820 : i32
    %ne3A_838 = arith.constant 0 : i32
    %ne3A_839 = arith.cmpi ne, %rem3A_837, %ne3A_838 : i32
    %and3A_840 = arith.andi %ne3A_836, %ne3A_839 : i1
    %sub3A_841 = arith.constant 1 : i32
    %sub3A_842 = arith.subi %div3A_821, %sub3A_841 : i32
    %select_n3A_843 = arith.select %and3A_840, %sub3A_842, %div3A_821 : i32
    %mul3A_844 = arith.constant 32 : i32
    %mul3A_845 = arith.muli %select_n3A_843, %mul3A_844 : i32
    %sub3A_846 = arith.subi %add3A_819, %mul3A_845 : i32
    %mul3A_847 = arith.constant 299 : i32
    %mul3A_848 = arith.muli %sub3A_846, %mul3A_847 : i32
    %jit3A_849 = arith.constant 31 : i32
    %div3A_850 = arith.divsi %mul3A_848, %jit3A_849 : i32
    %sign3A_851 = arith.constant 0 : i32
    %sign3A_852 = arith.cmpi sgt, %mul3A_848, %sign3A_851 : i32
    %sign3A_853 = arith.extui %sign3A_852 : i1 to i32
    %sign3A_854 = arith.constant 0 : i32
    %sign3A_855 = arith.cmpi slt, %mul3A_848, %sign3A_854 : i32
    %sign3A_856 = arith.extui %sign3A_855 : i1 to i32
    %sign3A_857 = arith.subi %sign3A_853, %sign3A_856 : i32
    %sign3A_858 = arith.constant 0 : i32
    %sign3A_859 = arith.cmpi sgt, %jit3A_849, %sign3A_858 : i32
    %sign3A_860 = arith.extui %sign3A_859 : i1 to i32
    %sign3A_861 = arith.constant 0 : i32
    %sign3A_862 = arith.cmpi slt, %jit3A_849, %sign3A_861 : i32
    %sign3A_863 = arith.extui %sign3A_862 : i1 to i32
    %sign3A_864 = arith.subi %sign3A_860, %sign3A_863 : i32
    %ne3A_865 = arith.cmpi ne, %sign3A_857, %sign3A_864 : i32
    %rem3A_866 = arith.remsi %mul3A_848, %jit3A_849 : i32
    %ne3A_867 = arith.constant 0 : i32
    %ne3A_868 = arith.cmpi ne, %rem3A_866, %ne3A_867 : i32
    %and3A_869 = arith.andi %ne3A_865, %ne3A_868 : i1
    %sub3A_870 = arith.constant 1 : i32
    %sub3A_871 = arith.subi %div3A_850, %sub3A_870 : i32
    %select_n3A_872 = arith.select %and3A_869, %sub3A_871, %div3A_850 : i32
    %dma_start3A_873 = arith.constant 2 : i32
    %dma_start3A_874 = arith.constant 128 : i32
    %dma_start3A_875 = arith.constant 0 : i32
    %dma_start3A_876 = tpu.memref_slice %arg3[%select_n3A_843, %sub3A_846, %dma_start3A_874, %dma_start3A_875] : memref<3x32x256x256xf32, #tpu.memory_space<hbm>> -> memref<1x1x128x256xf32, #tpu.memory_space<hbm>>
    %dma_start3A_877 = tpu.memref_squeeze %dma_start3A_876 : memref<1x1x128x256xf32, #tpu.memory_space<hbm>> -> memref<128x256xf32, #tpu.memory_space<hbm>>
    %dma_start3A_878 = tpu.memref_slice %arg8[%dma_start3A_873] : memref<3x!tpu.dma_semaphore, #tpu.memory_space<semaphore_mem>> -> memref<1x!tpu.dma_semaphore, #tpu.memory_space<semaphore_mem>>
    %dma_start3A_879 = tpu.memref_squeeze %dma_start3A_878 : memref<1x!tpu.dma_semaphore, #tpu.memory_space<semaphore_mem>> -> memref<!tpu.dma_semaphore, #tpu.memory_space<semaphore_mem>>
    %dma_start3A_880 = arith.constant 128 : i32
    %dma_start3A_881 = arith.constant 0 : i32
    %dma_start3A_882 = tpu.memref_slice %arg3[%select_n3A_843, %sub3A_846, %dma_start3A_880, %dma_start3A_881] : memref<3x32x256x256xf32, #tpu.memory_space<hbm>> -> memref<1x1x128x256xf32, #tpu.memory_space<hbm>>
    %dma_start3A_883 = tpu.memref_squeeze %dma_start3A_882 : memref<1x1x128x256xf32, #tpu.memory_space<hbm>> -> memref<128x256xf32, #tpu.memory_space<hbm>>
    tpu.enqueue_dma source(%arg6 : memref<128x256xf32, #tpu.memory_space<vmem>>) target(%dma_start3A_883 : memref<128x256xf32, #tpu.memory_space<hbm>>) target_semaphore(%dma_start3A_879 : memref<!tpu.dma_semaphore, #tpu.memory_space<semaphore_mem>>)
    %dma_wait3A_884 = arith.constant 0 : i32
    %dma_wait3A_885 = arith.constant 128 : i32
    %dma_wait3A_886 = arith.constant 0 : i32
    %dma_wait3A_887 = tpu.memref_slice %arg3[%select_n3A_612, %sub3A_615, %dma_wait3A_885, %dma_wait3A_886] : memref<3x32x256x256xf32, #tpu.memory_space<hbm>> -> memref<1x1x128x256xf32, #tpu.memory_space<hbm>>
    %dma_wait3A_888 = tpu.memref_squeeze %dma_wait3A_887 : memref<1x1x128x256xf32, #tpu.memory_space<hbm>> -> memref<128x256xf32, #tpu.memory_space<hbm>>
    %dma_wait3A_889 = tpu.memref_slice %arg8[%dma_wait3A_884] : memref<3x!tpu.dma_semaphore, #tpu.memory_space<semaphore_mem>> -> memref<1x!tpu.dma_semaphore, #tpu.memory_space<semaphore_mem>>
    %dma_wait3A_890 = tpu.memref_squeeze %dma_wait3A_889 : memref<1x!tpu.dma_semaphore, #tpu.memory_space<semaphore_mem>> -> memref<!tpu.dma_semaphore, #tpu.memory_space<semaphore_mem>>
    %dma_wait3A_891 = arith.constant 128 : i32
    %dma_wait3A_892 = arith.constant 0 : i32
    %dma_wait3A_893 = tpu.memref_slice %arg3[%select_n3A_612, %sub3A_615, %dma_wait3A_891, %dma_wait3A_892] : memref<3x32x256x256xf32, #tpu.memory_space<hbm>> -> memref<1x1x128x256xf32, #tpu.memory_space<hbm>>
    %dma_wait3A_894 = tpu.memref_squeeze %dma_wait3A_893 : memref<1x1x128x256xf32, #tpu.memory_space<hbm>> -> memref<128x256xf32, #tpu.memory_space<hbm>>
    tpu.wait_dma2 semaphore(%dma_wait3A_890 : memref<!tpu.dma_semaphore, #tpu.memory_space<semaphore_mem>>) src(%arg4 : memref<128x256xf32, #tpu.memory_space<vmem>>) dst(%dma_wait3A_894 : memref<128x256xf32, #tpu.memory_space<hbm>>)
    %dma_wait3A_895 = arith.constant 1 : i32
    %dma_wait3A_896 = arith.constant 0 : i32
    %dma_wait3A_897 = arith.constant 0 : i32
    %dma_wait3A_898 = tpu.memref_slice %arg3[%select_n3A_766, %sub3A_769, %dma_wait3A_896, %dma_wait3A_897] : memref<3x32x256x256xf32, #tpu.memory_space<hbm>> -> memref<1x1x128x256xf32, #tpu.memory_space<hbm>>
    %dma_wait3A_899 = tpu.memref_squeeze %dma_wait3A_898 : memref<1x1x128x256xf32, #tpu.memory_space<hbm>> -> memref<128x256xf32, #tpu.memory_space<hbm>>
    %dma_wait3A_900 = tpu.memref_slice %arg8[%dma_wait3A_895] : memref<3x!tpu.dma_semaphore, #tpu.memory_space<semaphore_mem>> -> memref<1x!tpu.dma_semaphore, #tpu.memory_space<semaphore_mem>>
    %dma_wait3A_901 = tpu.memref_squeeze %dma_wait3A_900 : memref<1x!tpu.dma_semaphore, #tpu.memory_space<semaphore_mem>> -> memref<!tpu.dma_semaphore, #tpu.memory_space<semaphore_mem>>
    %dma_wait3A_902 = arith.constant 0 : i32
    %dma_wait3A_903 = arith.constant 0 : i32
    %dma_wait3A_904 = tpu.memref_slice %arg3[%select_n3A_766, %sub3A_769, %dma_wait3A_902, %dma_wait3A_903] : memref<3x32x256x256xf32, #tpu.memory_space<hbm>> -> memref<1x1x128x256xf32, #tpu.memory_space<hbm>>
    %dma_wait3A_905 = tpu.memref_squeeze %dma_wait3A_904 : memref<1x1x128x256xf32, #tpu.memory_space<hbm>> -> memref<128x256xf32, #tpu.memory_space<hbm>>
    tpu.wait_dma2 semaphore(%dma_wait3A_901 : memref<!tpu.dma_semaphore, #tpu.memory_space<semaphore_mem>>) src(%arg5 : memref<128x256xf32, #tpu.memory_space<vmem>>) dst(%dma_wait3A_905 : memref<128x256xf32, #tpu.memory_space<hbm>>)
    %dma_wait3A_906 = arith.constant 2 : i32
    %dma_wait3A_907 = arith.constant 128 : i32
    %dma_wait3A_908 = arith.constant 0 : i32
    %dma_wait3A_909 = tpu.memref_slice %arg3[%select_n3A_843, %sub3A_846, %dma_wait3A_907, %dma_wait3A_908] : memref<3x32x256x256xf32, #tpu.memory_space<hbm>> -> memref<1x1x128x256xf32, #tpu.memory_space<hbm>>
    %dma_wait3A_910 = tpu.memref_squeeze %dma_wait3A_909 : memref<1x1x128x256xf32, #tpu.memory_space<hbm>> -> memref<128x256xf32, #tpu.memory_space<hbm>>
    %dma_wait3A_911 = tpu.memref_slice %arg8[%dma_wait3A_906] : memref<3x!tpu.dma_semaphore, #tpu.memory_space<semaphore_mem>> -> memref<1x!tpu.dma_semaphore, #tpu.memory_space<semaphore_mem>>
    %dma_wait3A_912 = tpu.memref_squeeze %dma_wait3A_911 : memref<1x!tpu.dma_semaphore, #tpu.memory_space<semaphore_mem>> -> memref<!tpu.dma_semaphore, #tpu.memory_space<semaphore_mem>>
    %dma_wait3A_913 = arith.constant 128 : i32
    %dma_wait3A_914 = arith.constant 0 : i32
    %dma_wait3A_915 = tpu.memref_slice %arg3[%select_n3A_843, %sub3A_846, %dma_wait3A_913, %dma_wait3A_914] : memref<3x32x256x256xf32, #tpu.memory_space<hbm>> -> memref<1x1x128x256xf32, #tpu.memory_space<hbm>>
    %dma_wait3A_916 = tpu.memref_squeeze %dma_wait3A_915 : memref<1x1x128x256xf32, #tpu.memory_space<hbm>> -> memref<128x256xf32, #tpu.memory_space<hbm>>
    tpu.wait_dma2 semaphore(%dma_wait3A_912 : memref<!tpu.dma_semaphore, #tpu.memory_space<semaphore_mem>>) src(%arg6 : memref<128x256xf32, #tpu.memory_space<vmem>>) dst(%dma_wait3A_916 : memref<128x256xf32, #tpu.memory_space<hbm>>)
    return
  }
}

</mosaic_0001>

<sc_bundles>
// kernel: kernel.3.cloned.1.call-start
scs
__scs_entry_jumppad:
0x0: {  	(pc) =	sbr.rel $0x88, $3  }
0x1: {  	(tag) =	ssettag $0x0;
	lr =	simm.s32 $0x1  }
0x2: {  	[smem:$0x3FA0] =	sst lr;
	_ =	strace $0xD0000000  }
0x3: {  	_ = 	snop  }
0x4: {  	_ = 	snop  }
0x5: {  	_ = 	snop  }
0x6: {  	_ = 	snop  }
0x7: {  	_ = 	snop  }
__scs_overlays_trampoline_lowered:
0x8: {  	[smem:$0x3FAF] =	sst s0  }
0x9: {  	[smem:$0x3FB0] =	sst s1  }
0xa: {  	[smem:$0x3FB1] =	sst s2  }
0xb: {  	[smem:$0x3FB2] =	sst s3  }
0xc: {  	[smem:$0x3FB3] =	sst s4  }
0xd: {  	[smem:$0x3FB4] =	sst s5  }
0xe: {  	[smem:$0x3FB5] =	sst s6  }
0xf: {  	[smem:$0x3FB6] =	sst s7  }
0x10: {  	[smem:$0x3FB7] =	sst s8  }
0x11: {  	[smem:$0x3FB8] =	sst s9;
	s0 =	simm.s32 @!p0 $0x0  }
0x12: {  	s1 =	sld [smem:$0x3F9E];
	s0 =	simm.s32 @p0 $0x1  }
0x13: {  	[smem:$0x3FB9] =	sst s0;
	s0 =	simm.s32 @!p1 $0x0  }
0x14: {  	s2 =	sld [smem:$0x3F9D];
	s0 =	simm.s32 @p1 $0x1  }
0x15: {  	[smem:$0x3FBA] =	sst s0;
	s0 =	simm.s32 @!p2 $0x0  }
0x16: {  	s3 =	sld [smem:$0x3FDB];
	s0 =	simm.s32 @p2 $0x1  }
0x17: {  	s4 =	simm.s32 $0x1BF5;
	[smem:$0x3FBC] =	sst s0  }
0x18: {  	s0 =	sld [smem:$0x3F9F];
	_ =	swait.ge [sflag:s4], $0x0  }
0x19: {  	s7 =	sld [smem:$0x3FA0]  }
0x1a: {  	s8 =	sadd.s32 $0xFFFFE003, lr  }
0x1b: {  	s9 =	sadd.s32 $0xFFFFFEF7, lr;
	s5 =	simm.s32 $0xFFFFFFFF;
	p2 =	slt.u32 s8, $0xFFFFF086  }
0x1c: {  	p1 =	slt.u32 s9, $0xF7A;
	s5 =	simm.s32 @!p2 $0x0  }
0x1d: {  	s5 =	simm.s32 @p1 $0x1;
	p0 =	seq.s32 s7, s2  }
0x1e: {  	s7 =	smul.u32 @!p0 $0xF7A, s2;
	p2 =	seq.s32 @!p0 s5, $0x0  }
0x1f: {  	s9 =	smul.u32 $0xF7A, s1;
	s8 =	simm.s32 @!p0 $0x1BF5;
	p2 =	por !p2, p0  }
0x20: {  	[sflag:s8] =	ssyncset.s32 @!p0 $0xFFFFF086;
	s6 =	sadd.s32 @!p0 s3, s7;
	s7 =	simm.s32 @!p0 $0x108  }
0x21: {  	s3 =	sadd.s32 s3, s9;
	s6 =	sadd.s32 @!p0 $0x88, s6;
	s7 =	simm.s32 @p2 $0x1082  }
0x22: {  	[simem:s7], [sflag:s8] =	dma.local @!p0 [hbm:s6], $0xF7A  }
0x23: {  	s9 =	sor.u32 $0xD0000000, s2;
	s6 =	simm.s32 $0x108;
	_ =	swait.ge @!p0 [sflag:s8], $0x0  }
0x24: {  	s3 =	sadd.s32 $0x88, s3;
	s6 =	simm.s32 @!p1 $0x1082;
	[sflag:s4] =	ssyncset.s32 $0xFFFFF086  }
0x25: {  	[simem:s6], [sflag:s4] =	dma.local [hbm:s3], $0xF7A  }
0x26: {  	[smem:$0x3FA0] =	sst s1;
	(tag) =	ssettag s2;
	_ =	strace s9  }
0x27: {  	s1 =	sld [smem:$0x3FB0]  }
0x28: {  	s2 =	sld [smem:$0x3FB1]  }
0x29: {  	s4 =	sld [smem:$0x3FB3]  }
0x2a: {  	p0 =	seq.s32 s5, $0x0;
	s5 =	sld [smem:$0x3FB4]  }
0x2b: {  	s6 =	sld [smem:$0x3FB5]  }
0x2c: {  	s7 =	sld [smem:$0x3FB6]  }
0x2d: {  	s3 =	simm.s32 $0x108;
	s8 =	sld [smem:$0x3FB7]  }
0x2e: {  	s3 =	simm.s32 @!p0 $0x1082;
	s9 =	sld [smem:$0x3FB8]  }
0x2f: {  	lr =	sadd.s32 s0, s3;
	s0 =	sld [smem:$0x3FAF]  }
0x30: {  	s3 =	sld [smem:$0x3FB2]  }
0x31: {  	[smem:$0x3FBB] =	sst s10  }
0x32: {  	s10 =	sld [smem:$0x3FB9];
	_ =	sdelay $0x3  }
0x33: {  	p0 =	seq.s32 s10, $0x1;
	s10 =	sld [smem:$0x3FBB];
	_ =	sdelay $0x3  }
0x34: {  	[smem:$0x3FBB] =	sst s10  }
0x35: {  	s10 =	sld [smem:$0x3FBA];
	_ =	sdelay $0x3  }
0x36: {  	p1 =	seq.s32 s10, $0x1;
	s10 =	sld [smem:$0x3FBB];
	_ =	sdelay $0x3  }
0x37: {  	[smem:$0x3FBB] =	sst s10  }
0x38: {  	s10 =	sld [smem:$0x3FBC]  }
0x39: {  	_ = 	snop;
	(pc) =	sbr.ind lr, $3  }
0x3a: {  	_ = 	snop  }
0x3b: {  	_ = 	snop  }
0x3c: {  	p2 =	seq.s32 s10, $0x1;
	s10 =	sld [smem:$0x3FBB]  }
0x3d: {  	_ =	shalt  }
0x3e: {  	_ =	shalt  }
0x3f: {  	_ =	shalt  }
0x40: {  	_ =	shalt  }
0x41: {  	_ =	shalt  }
0x42: {  	_ =	shalt  }
0x43: {  	_ =	shalt  }
0x44: {  	_ =	shalt  }
0x45: {  	_ =	shalt  }
0x46: {  	_ =	shalt  }
0x47: {  	_ =	shalt  }
0x48: {  	_ =	shalt  }
0x49: {  	_ =	shalt  }
0x4a: {  	_ =	shalt  }
0x4b: {  	_ =	shalt  }
0x4c: {  	_ =	shalt  }
0x4d: {  	_ =	shalt  }
0x4e: {  	_ =	shalt  }
0x4f: {  	_ =	shalt  }
0x50: {  	_ =	shalt  }
0x51: {  	_ =	shalt  }
0x52: {  	_ =	shalt  }
0x53: {  	_ =	shalt  }
0x54: {  	_ =	shalt  }
0x55: {  	_ =	shalt  }
0x56: {  	_ =	shalt  }
0x57: {  	_ =	shalt  }
0x58: {  	_ =	shalt  }
0x59: {  	_ =	shalt  }
0x5a: {  	_ =	shalt  }
0x5b: {  	_ =	shalt  }
0x5c: {  	_ =	shalt  }
0x5d: {  	_ =	shalt  }
0x5e: {  	_ =	shalt  }
0x5f: {  	_ =	shalt  }
0x60: {  	_ =	shalt  }
0x61: {  	_ =	shalt  }
0x62: {  	_ =	shalt  }
0x63: {  	_ =	shalt  }
0x64: {  	_ =	shalt  }
0x65: {  	_ =	shalt  }
0x66: {  	_ =	shalt  }
0x67: {  	_ =	shalt  }
0x68: {  	_ =	shalt  }
0x69: {  	_ =	shalt  }
0x6a: {  	_ =	shalt  }
0x6b: {  	_ =	shalt  }
0x6c: {  	_ =	shalt  }
0x6d: {  	_ =	shalt  }
0x6e: {  	_ =	shalt  }
0x6f: {  	_ =	shalt  }
0x70: {  	_ =	shalt  }
0x71: {  	_ =	shalt  }
0x72: {  	_ =	shalt  }
0x73: {  	_ =	shalt  }
0x74: {  	_ =	shalt  }
0x75: {  	_ =	shalt  }
0x76: {  	_ =	shalt  }
0x77: {  	_ =	shalt  }
0x78: {  	_ =	shalt  }
0x79: {  	_ =	shalt  }
0x7a: {  	_ =	shalt  }
0x7b: {  	_ =	shalt  }
0x7c: {  	_ =	shalt  }
0x7d: {  	_ =	shalt  }
0x7e: {  	_ =	shalt  }
0x7f: {  	_ =	shalt  }
0x80: {  	_ =	shalt  }
0x81: {  	_ =	shalt  }
0x82: {  	_ =	shalt  }
0x83: {  	_ =	shalt  }
0x84: {  	_ =	shalt  }
0x85: {  	_ =	shalt  }
0x86: {  	_ =	shalt  }
0x87: {  	_ =	shalt  }
.Lfunc_end0:
.L_simem_size_0:
called_computation_lowered:
.L_overlay_start_0:
0x88: {  	s2 =	sld [smem:$0x3FD9]  }
0x89: {  	s3 =	sld [smem:$0x3FFE];
	_ =	sdelay $0x1  }
0x8a: {  	s1 =	srdreg.scid  }
0x8b: {  	s0 =	sand.u32 $0x1, s1  }
0x8c: {  	s18 =	sshll.u32 s0, $0xA;
	s2 =	sadd.s32 s3, s2  }
0x8d: {  	s2 =	sadd.s32 s2, s18  }
0x8e: {  	[smem:$0x3FC7] =	sst s2  }
0x8f: {  	_ = 	snop  }
0x90: {  	s2 =	sld [smem:$0x3FC9]  }
0x91: {  	s19 =	sld [smem:$0x3FD0];
	(tm) =	ssettm $0x1  }
0x92: {  	s4 =	sld [smem:$0x3FFB];
	_ =	sdelay $0x3  }
0x93: {  	_ =	strace s4  }
0x94: {  	s4 =	sld [smem:$0x3FFC];
	_ =	sdelay $0x3  }
0x95: {  	_ =	strace s4  }
0x96: {  	s4 =	sld [smem:$0x3FFD];
	_ =	sdelay $0x3  }
0x97: {  	_ =	strace s4  }
0x98: {  	_ =	strace $0x8FFFFFFF  }
0x99: {  	s20 =	sld [smem:$0x3FDB];
	_ =	sdelay $0x1  }
0x9a: {  	s5 =	simm.s32 $_scs_section_size  }
0x9b: {  	s6 =	simm.s32 $_size__tile_overlayer_lowered;
	s7 =	simm.s32 $_tile_overlayer_lowered  }
0x9c: {  	s23 =	simm.s32 $0x1BFF;
	s22 =	sshll.u32 s7, $0x1;
	s4 =	sadd.s32 s5, s20  }
0x9d: {  	s8 =	simm.s32 $0x0;
	s21 =	sshll.u32 s6, $0x1;
	s6 =	sadd.s32 s22, s4  }
0x9e: {  	[timem:s8], [sflag:s23] =	dma.local [hbm:s6], s21  }
0x9f: {  	_ =	swait.ge [sflag:s23], s21  }
0xa0: {  	s5 =	ssub.s32 $0x0, s21;
	[sflag:s23] =	ssyncset.done $0x0  }
0xa1: {  	[sflag:s23] =	ssyncadd.s32 s5;
	_ =	sdelay $0x1  }
0xa2: {  	s24 =	simm.s32 $0x1B8B  }
0xa3: {  	_ =	swait.ge [sflag:s24], $0x1  }
0xa4: {  	[sflag:s24] =	ssyncset.done $0x0  }
0xa5: {  	s25 =	simm.s32 $0x1B8E;
	[sflag:s24] =	ssyncadd.s32 $0xFFFFFFFF  }
0xa6: {  	s26 =	simm.s32 $execute0_lowered;
	[smem:$0x3FD2] =	sst s25  }
0xa7: {  	s5 =	sshll.u32 s26, $0x1;
	_ =	strace $0x80000046;
	[dreg:$0x1] =	wrdreg $0xFFFFFFFF  }
0xa8: {  	s28 =	simm.s32 $_size_execute0_lowered;
	s4 =	sadd.s32 s4, s5;
	[dreg:$0x0] =	wrdreg $0x0  }
0xa9: {  	s5 =	sshll.u32 s28, $0x1;
	[dreg:$0x2] =	wrdreg s4  }
0xaa: {  	[dreg:$0x3] =	wrdreg s5  }
0xab: {  	[dreg:$0x4] =	wrdreg $0xC0  }
0xac: {  	_ =	task [dreg:s8], $0x5FFFF  }
0xad: {  	[dreg:$0x1] =	wrdreg $0xFFFFFFFF  }
0xae: {  	[dreg:$0x0] =	wrdreg $0x60  }
0xaf: {  	[dreg:$0x2] =	wrdreg s2  }
0xb0: {  	[dreg:$0x3] =	wrdreg s19  }
0xb1: {  	[dreg:$0x4] =	wrdreg $0x9  }
0xb2: {  	_ =	task.clear_ibuf [dreg:s8], $0x5FFFF;
	_ =	strace $0x90000046  }
0xb3: {  	s29 =	simm.s32 $0x9;
	_ =	strace $0x80000048  }
0xb4: {  	_ =	swait.ge [sflag:s29], $0x1  }
0xb5: {  	[sflag:s29] =	ssyncadd.s32 $0xFFFFFFFF  }
0xb6: {  	_ =	strace $0x90000048  }
0xb7: {  	_ =	sfence  }
0xb8: {  	s30 =	sld [smem:$0x0];
	_ =	sdelay $0x2  }
0xb9: {  	s31 =	sshll.u32 s1, $0xD;
	s1 =	sshrl.u32 s1, $0x2  }
0xba: {  	s3 =	sand.u32 $0x4000, s31;
	s1 =	sadd.s32 s1, s30  }
0xbb: {  	s0 =	sor.u32 s3, s0;
	s1 =	sshll.u32 s1, $0x11  }
0xbc: {  	s0 =	sor.u32 s1, s0  }
0xbd: {  	s0 =	sadd.s32 $0x8F2B, s0  }
0xbe: {  	[sflag:s0] =	ssyncadd.remote.s32 $0x1  }
0xbf: {  	_ =	sfence.sel $0xFFFF  }
0xc0: {  	[dreg:$0x0] =	wrdreg $0xFFFFFFFF;
	(pc) =	sbr.abs _section_cstart, $3  }
0xc1: {  	[dreg:$0x1] =	wrdreg $0xFFFFFFFF  }
0xc2: {  	_ =	task.clear_ibuf [dreg:s8], $0x2FFFF;
	_ =	strace $0x9FFFFFFF  }
0xc3: {  	(tm) =	ssettm $0x7FFFFFFF  }
tec
execute0_lowered:
.L_overlay_start_1:
0x0: {  	(tag) =	ssettag $0x1  }
0x1: {  	s1 =	srdreg.scid;
	s0 =	stileid.u32  }
0x2: {  	s23 =	sand.u32 $0x1, s1;
	s25 =	sshll.u32 s0, $0x1  }
0x3: {  	s1 =	sor.u32 s23, s25  }
0x4: {  	s14 =	smul.u32 $0x3, s1;
	_ =	sdelay $0x1  }
0x5: {  	s17 =	rddreg [dreg:$0x0];
	s7 =	sand.u32 $0x1F, s14  }
0x6: {  	s21 =	rddreg [dreg:$0x1];
	s2 =	simm.s32 $0x0;
	s26 =	smul.u32 $0x4D29DB, s7  }
0x7: {  	[smem:$0x7FF] =	sst s2;
	s20 =	sadd.s32 $0x1000, s17;
	s5 =	sshrl.u32 s14, $0x5  }
0x8: {  	s6 =	sadd.s32 $0x1, s14;
	s3 =	smul.u32 $0x12C0000, s5;
	s1 =	sshrl.u32 s26, $0x3  }
0x9: {  	s15 =	sand.u32 $0x1F, s6;
	s16 =	sshrl.u32 s6, $0x5;
	s4 =	sand.u32 $0x1FF0000, s1  }
0xa: {  	s8 =	sshll.u32 s5, $0x12;
	s5 =	simm.s32 $0x8000;
	s3 =	sadd.s32 s3, s4  }
0xb: {  	s6 =	simm.s32 $0x1;
	s28 =	smul.u32 $0x4D29DB, s15;
	s4 =	sshrl.u32 s3, $0x3  }
0xc: {  	s1 =	rddreg [dreg:$0x2];
	_ =	strace $0x80000047;
	s3 =	sadd.s32 s17, s4  }
0xd: {  	[tilespmem:s2], [sflag:$0x1] =	stream.linear.gather [hbm4b:s3+s2], $0x8000, $0x38;
	[tilespmem:$0x18000] =	vst v63  }
0xe: {  	s9 =	smul.u32 $0x12C0000, s16;
	s10 =	sshrl.u32 s28, $0x3;
	s4 =	sadd.s32 s4, s20  }
0xf: {  	[tilespmem:s5], [sflag:$0x2] =	stream.linear.gather [hbm4b:s4+s2], $0x8000, $0x38;
	[tilespmem:$0x18000] =	vst v63  }
0x10: {  	s7 =	sshll.u32 s7, $0xD;
	s10 =	sand.u32 $0x1FF0000, s10;
	_ =	swait.ge [sflag:s6], $0x8000  }
0x11: {  	s11 =	sor.u32 s7, s8;
	s29 =	sadd.s32 s9, s10;
	[sflag:s6] =	ssyncset.done $0x0  }
0x12: {  	s7 =	sadd.s32 s21, s11;
	s13 =	sshrl.u32 s29, $0x3;
	[sflag:s6] =	ssyncadd.s32 $0xFFFF8000  }
0x13: {  	[hbm4b:s7+s2] =	stream.linear.scatter [tilespmem:s2], [sflag:$0x4], $0x8000, $0x38;
	[tilespmem:$0x18000] =	vst v63  }
0x14: {  	s9 =	simm.s32 $0x10000;
	s10 =	simm.s32 $0x2;
	s8 =	sadd.s32 s17, s13  }
0x15: {  	[tilespmem:s9], [sflag:$0x3] =	stream.linear.gather [hbm4b:s8+s2], $0x8000, $0x38;
	[tilespmem:$0x18000] =	vst v63  }
0x16: {  	s12 =	simm.s32 $0x4;
	_ =	swait.ge [sflag:s10], $0x8000  }
0x17: {  	s22 =	sadd.s32 $0x1000, s21;
	s18 =	sadd.s32 $0x2, s14;
	[sflag:s10] =	ssyncset.done $0x0  }
0x18: {  	s14 =	simm.s32 $0x3;
	s11 =	sadd.s32 s11, s22;
	[sflag:s10] =	ssyncadd.s32 $0xFFFF8000  }
0x19: {  	[hbm4b:s11+s2] =	stream.linear.scatter [tilespmem:s5], [sflag:$0x5], $0x8000, $0x38;
	[tilespmem:$0x18000] =	vst v63  }
0x1a: {  	s24 =	sand.u32 $0x1F, s18;
	s25 =	sshrl.u32 s18, $0x5;
	_ =	swait.ge [sflag:s12], $0x8000  }
0x1b: {  	s16 =	sshll.u32 s16, $0x12;
	s15 =	sshll.u32 s15, $0xD;
	[sflag:s12] =	ssyncset.done $0x0  }
0x1c: {  	s30 =	smul.u32 $0x4D29DB, s24;
	s13 =	sadd.s32 s13, s20;
	[sflag:s12] =	ssyncadd.s32 $0xFFFF8000  }
0x1d: {  	[tilespmem:s2], [sflag:$0x1] =	stream.linear.gather [hbm4b:s13+s2], $0x8000, $0x38;
	[tilespmem:$0x18000] =	vst v63  }
0x1e: {  	s18 =	smul.u32 $0x12C0000, s25;
	s19 =	sor.u32 s15, s16;
	_ =	swait.ge [sflag:s14], $0x8000  }
0x1f: {  	s15 =	sadd.s32 s21, s19;
	s16 =	sshrl.u32 s30, $0x3;
	[sflag:s14] =	ssyncset.done $0x0  }
0x20: {  	s26 =	sand.u32 $0x1FF0000, s16;
	s16 =	simm.s32 $0x5;
	[sflag:s14] =	ssyncadd.s32 $0xFFFF8000  }
0x21: {  	[hbm4b:s15+s2] =	stream.linear.scatter [tilespmem:s9], [sflag:$0x6], $0x8000, $0x38;
	[tilespmem:$0x18000] =	vst v63  }
0x22: {  	s18 =	sadd.s32 s18, s26;
	_ =	swait.ge [sflag:s16], $0x8000  }
0x23: {  	s26 =	sshrl.u32 s18, $0x3;
	[sflag:s16] =	ssyncset.done $0x0  }
0x24: {  	s17 =	sadd.s32 s17, s26;
	[sflag:s16] =	ssyncadd.s32 $0xFFFF8000  }
0x25: {  	[tilespmem:s5], [sflag:$0x2] =	stream.linear.gather [hbm4b:s17+s2], $0x8000, $0x38;
	[tilespmem:$0x18000] =	vst v63  }
0x26: {  	_ =	swait.ge [sflag:s6], $0x8000  }
0x27: {  	[sflag:s6] =	ssyncset.done $0x0  }
0x28: {  	s18 =	sadd.s32 s19, s22;
	s19 =	simm.s32 $0x6;
	[sflag:s6] =	ssyncadd.s32 $0xFFFF8000  }
0x29: {  	[hbm4b:s18+s2] =	stream.linear.scatter [tilespmem:s2], [sflag:$0x4], $0x8000, $0x38;
	[tilespmem:$0x18000] =	vst v63  }
0x2a: {  	_ =	swait.ge [sflag:s19], $0x8000  }
0x2b: {  	[sflag:s19] =	ssyncset.done $0x0  }
0x2c: {  	s20 =	sadd.s32 s26, s20;
	[sflag:s19] =	ssyncadd.s32 $0xFFFF8000  }
0x2d: {  	[tilespmem:s9], [sflag:$0x3] =	stream.linear.gather [hbm4b:s20+s2], $0x8000, $0x38;
	[tilespmem:$0x18000] =	vst v63  }
0x2e: {  	s25 =	sshll.u32 s25, $0x12;
	s24 =	sshll.u32 s24, $0xD;
	_ =	swait.ge [sflag:s10], $0x8000  }
0x2f: {  	s24 =	sor.u32 s24, s25;
	[sflag:s10] =	ssyncset.done $0x0  }
0x30: {  	s21 =	sadd.s32 s21, s24;
	[sflag:s10] =	ssyncadd.s32 $0xFFFF8000  }
0x31: {  	[hbm4b:s21+s2] =	stream.linear.scatter [tilespmem:s5], [sflag:$0x5], $0x8000, $0x38;
	[tilespmem:$0x18000] =	vst v63  }
0x32: {  	_ =	swait.ge [sflag:s14], $0x8000  }
0x33: {  	s23 =	ssub.s32 $0x2, s23;
	[sflag:s14] =	ssyncset.done $0x0  }
0x34: {  	s31 =	sshrl.u32 s23, $0x1;
	s22 =	sadd.s32 s24, s22;
	[sflag:s14] =	ssyncadd.s32 $0xFFFF8000  }
0x35: {  	[hbm4b:s22+s2] =	stream.linear.scatter [tilespmem:s9], [sflag:$0x6], $0x8000, $0x38;
	[tilespmem:$0x18000] =	vst v63  }
0x36: {  	s23 =	ssub.s32 s23, s31;
	_ =	swait.ge [sflag:s12], $0x8000  }
0x37: {  	s23 =	smax.u32 s23, $0x1;
	[sflag:s12] =	ssyncset.done $0x0  }
0x38: {  	p0 =	sne.s32 s23, $0x1;
	[sflag:s12] =	ssyncadd.s32 $0xFFFF8000  }
.Ltmp0:
0x39: {  	_ =	swait.ge [sflag:s16], $0x8000;
	(pc) =	sbr.rel @!p0 .LBB2_2-.Ltmp0, $4  }
0x3a: {  	[sflag:s16] =	ssyncset.done $0x0  }
0x3b: {  	[sflag:s16] =	ssyncadd.s32 $0xFFFF8000  }
0x3c: {  	_ =	swait.ge [sflag:s19], $0x8000  }
0x3d: {  	s23 =	sadd.s32 $0xFFFFFFFF, s23;
	[sflag:s19] =	ssyncset.done $0x0  }
.LBB2_1:
0x3e: {  	p0 =	sne.s32 s23, $0x1;
	s23 =	sadd.s32 $0xFFFFFFFF, s23;
	[sflag:s19] =	ssyncadd.s32 $0xFFFF8000  }
0x3f: {  	[tilespmem:s2], [sflag:$0x1] =	stream.linear.gather [hbm4b:s3+s2], $0x8000, $0x38;
	[tilespmem:$0x18000] =	vst v63  }
0x40: {  	_ = 	snop  }
0x41: {  	[tilespmem:s5], [sflag:$0x2] =	stream.linear.gather [hbm4b:s4+s2], $0x8000, $0x38;
	[tilespmem:$0x18000] =	vst v63  }
0x42: {  	_ =	swait.ge [sflag:s6], $0x8000  }
0x43: {  	[sflag:s6] =	ssyncset.done $0x0  }
0x44: {  	[sflag:s6] =	ssyncadd.s32 $0xFFFF8000  }
0x45: {  	[hbm4b:s7+s2] =	stream.linear.scatter [tilespmem:s2], [sflag:$0x4], $0x8000, $0x38;
	[tilespmem:$0x18000] =	vst v63  }
0x46: {  	_ = 	snop  }
0x47: {  	[tilespmem:s9], [sflag:$0x3] =	stream.linear.gather [hbm4b:s8+s2], $0x8000, $0x38;
	[tilespmem:$0x18000] =	vst v63  }
0x48: {  	_ =	swait.ge [sflag:s10], $0x8000  }
0x49: {  	[sflag:s10] =	ssyncset.done $0x0  }
0x4a: {  	[sflag:s10] =	ssyncadd.s32 $0xFFFF8000  }
0x4b: {  	[hbm4b:s11+s2] =	stream.linear.scatter [tilespmem:s5], [sflag:$0x5], $0x8000, $0x38;
	[tilespmem:$0x18000] =	vst v63  }
0x4c: {  	_ =	swait.ge [sflag:s12], $0x8000  }
0x4d: {  	[sflag:s12] =	ssyncset.done $0x0  }
0x4e: {  	[sflag:s12] =	ssyncadd.s32 $0xFFFF8000  }
0x4f: {  	[tilespmem:s2], [sflag:$0x1] =	stream.linear.gather [hbm4b:s13+s2], $0x8000, $0x38;
	[tilespmem:$0x18000] =	vst v63  }
0x50: {  	_ =	swait.ge [sflag:s14], $0x8000  }
0x51: {  	[sflag:s14] =	ssyncset.done $0x0  }
0x52: {  	[sflag:s14] =	ssyncadd.s32 $0xFFFF8000  }
0x53: {  	[hbm4b:s15+s2] =	stream.linear.scatter [tilespmem:s9], [sflag:$0x6], $0x8000, $0x38;
	[tilespmem:$0x18000] =	vst v63  }
0x54: {  	_ =	swait.ge [sflag:s16], $0x8000  }
0x55: {  	[sflag:s16] =	ssyncset.done $0x0  }
0x56: {  	[sflag:s16] =	ssyncadd.s32 $0xFFFF8000  }
0x57: {  	[tilespmem:s5], [sflag:$0x2] =	stream.linear.gather [hbm4b:s17+s2], $0x8000, $0x38;
	[tilespmem:$0x18000] =	vst v63  }
0x58: {  	_ =	swait.ge [sflag:s6], $0x8000  }
0x59: {  	[sflag:s6] =	ssyncset.done $0x0  }
0x5a: {  	[sflag:s6] =	ssyncadd.s32 $0xFFFF8000  }
0x5b: {  	[hbm4b:s18+s2] =	stream.linear.scatter [tilespmem:s2], [sflag:$0x4], $0x8000, $0x38;
	[tilespmem:$0x18000] =	vst v63  }
0x5c: {  	_ =	swait.ge [sflag:s19], $0x8000  }
0x5d: {  	[sflag:s19] =	ssyncset.done $0x0  }
0x5e: {  	[sflag:s19] =	ssyncadd.s32 $0xFFFF8000  }
0x5f: {  	[tilespmem:s9], [sflag:$0x3] =	stream.linear.gather [hbm4b:s20+s2], $0x8000, $0x38;
	[tilespmem:$0x18000] =	vst v63  }
0x60: {  	_ =	swait.ge [sflag:s10], $0x8000  }
0x61: {  	[sflag:s10] =	ssyncset.done $0x0  }
0x62: {  	[sflag:s10] =	ssyncadd.s32 $0xFFFF8000  }
0x63: {  	[hbm4b:s21+s2] =	stream.linear.scatter [tilespmem:s5], [sflag:$0x5], $0x8000, $0x38;
	[tilespmem:$0x18000] =	vst v63  }
0x64: {  	_ =	swait.ge [sflag:s14], $0x8000  }
0x65: {  	[sflag:s14] =	ssyncset.done $0x0  }
0x66: {  	[sflag:s14] =	ssyncadd.s32 $0xFFFF8000  }
0x67: {  	[hbm4b:s22+s2] =	stream.linear.scatter [tilespmem:s9], [sflag:$0x6], $0x8000, $0x38;
	[tilespmem:$0x18000] =	vst v63  }
0x68: {  	_ =	swait.ge [sflag:s12], $0x8000  }
0x69: {  	[sflag:s12] =	ssyncset.done $0x0  }
0x6a: {  	[sflag:s12] =	ssyncadd.s32 $0xFFFF8000  }
.Ltmp1:
0x6b: {  	_ =	swait.ge [sflag:s16], $0x8000;
	(pc) =	sbr.rel @p0 .LBB2_1-.Ltmp1, $4  }
0x6c: {  	[sflag:s16] =	ssyncset.done $0x0  }
0x6d: {  	[sflag:s16] =	ssyncadd.s32 $0xFFFF8000  }
0x6e: {  	_ =	swait.ge [sflag:s19], $0x8000  }
0x6f: {  	[sflag:s19] =	ssyncset.done $0x0  }
.LBB2_2:
0x70: {  	[sflag:s19] =	ssyncadd.s32 $0xFFFF8000  }
0x71: {  	_ =	sfence.sel $0x180000  }
0x72: {  	[bflag:$0x0] =	sbarrier.arrive $0xFFFF  }
0x73: {  	p0 =	sne.s32 s0, $0x0;
	_ =	strace $0x90000047  }
0x74: {  	s0 =	sadd.s32 @!p0 $0x100000, s1;
	[bflag:$0x2] =	sbarrier.arrive $0xFFFF  }
0x75: {  	[sflag:s0] =	ssyncadd.tile.s32 @!p0 $0x1;
	_ =	shalt  }
.Lfunc_end2:
_tile_overlayer_lowered:
.L_overlay_start_2:
0x76: {  	(tag) =	ssettag $0x2  }
0x77: {  	s0 =	rddreg [dreg:$0x0];
	s2 =	stileid.u32  }
0x78: {  	s1 =	rddreg [dreg:$0x1];
	p0 =	sne.s32 s2, $0x0  }
0x79: {  	s3 =	rddreg [dreg:$0x2];
	[bflag:$0x3] =	sbarrier.arrive $0xFFFF;
	s2 =	simm.s32 @!p0 $0x1C07  }
0x7a: {  	[timem:s3], [sflag:s2] =	dma.local @!p0 [hbm:s0], s1  }
0x7b: {  	s0 =	simm.s32 @!p0 $0x7  }
0x7c: {  	_ =	swait.ge @!p0 [sflag:s0], s1  }
0x7d: {  	s1 =	ssub.s32 @!p0 $0x0, s1;
	[sflag:s0] =	ssyncset.done @!p0 $0x0  }
0x7e: {  	[sflag:s0] =	ssyncadd.s32 @!p0 s1  }
0x7f: {  	[bflag:$0x3] =	sbarrier.arrive $0xFFFF  }
0x80: {  	_ =	shalt  }

</sc_bundles>
